<compile_context>
chip_gen: v7x
topology: tpu7x:2x2x1
jax: 0.10.2.dev20260603
libtpu: 0.0.44.dev20260713+nightly
codegen_flags: <defaults>
</compile_context>

<pallas_src>
import functools

import jax
import jax.numpy as jnp
from jax import lax
from jax.experimental import pallas as pl
from jax.experimental.pallas import tpu as pltpu
from jax.experimental.pallas import tpu_sc as plsc

_B = 4096
_D = 64

_NC = 2
_NS = 16
_NW = _NC * _NS
_PW = 2 * _B // _NW // 2


def _gather_body(min_hbm, delta_hbm, idx_hbm,
                 m1_out, m2_out, d1_out, d2_out,
                 ids_v, om1, om2, od1, od2, sem):
    wid = lax.axis_index("s") * _NC + lax.axis_index("c")
    poff = wid * _PW
    pltpu.sync_copy(idx_hbm.at[pl.ds(2 * poff, 2 * _PW)], ids_v)
    iota = lax.iota(jnp.int32, 16)

    def _group(g, carry):
        grp = ids_v[pl.ds(16 * g, 16)]
        for j in range(16):
            sid = jnp.sum(jnp.where(iota == j, grp, 0))
            row = 8 * g + j // 2
            om, od = (om1, od1) if j % 2 == 0 else (om2, od2)
            pltpu.async_copy(min_hbm.at[sid >> 3, sid & 7, :],
                             om.at[row, :], sem)
            pltpu.async_copy(delta_hbm.at[sid >> 3, sid & 7, :],
                             od.at[row, :], sem)
        return carry

    lax.fori_loop(0, 2 * _PW // 16, _group, 0)

    for buf in (om1, om2, od1, od2):
        pltpu.make_async_copy(m1_out.at[pl.ds(0, _PW)], buf, sem).wait()
    pltpu.sync_copy(om1, m1_out.at[pl.ds(poff, _PW)])
    pltpu.sync_copy(om2, m2_out.at[pl.ds(poff, _PW)])
    pltpu.sync_copy(od1, d1_out.at[pl.ds(poff, _PW)])
    pltpu.sync_copy(od2, d2_out.at[pl.ds(poff, _PW)])


_gather = functools.partial(
    pl.kernel,
    mesh=plsc.VectorSubcoreMesh(core_axis_name="c", subcore_axis_name="s"),
    compiler_params=pltpu.CompilerParams(needs_layout_passes=False),
    out_type=[jax.ShapeDtypeStruct((_B, _D), jnp.float32)] * 4,
    scratch_types=[
        pltpu.VMEM((2 * _PW,), jnp.int32),
        pltpu.VMEM((_PW, _D), jnp.float32),
        pltpu.VMEM((_PW, _D), jnp.float32),
        pltpu.VMEM((_PW, _D), jnp.float32),
        pltpu.VMEM((_PW, _D), jnp.float32),
        pltpu.SemaphoreType.DMA,
    ],
)(_gather_body)


def _box_body(m1_ref, m2_ref, d1_ref, d2_ref, tag_ref, ntag_ref, pred_ref):
    b1min = m1_ref[...]
    b2min = m2_ref[...]
    b1max = b1min + jnp.exp(d1_ref[...])
    b2max = b2min + jnp.exp(d2_ref[...])
    z = jnp.maximum(b1min, b2min)
    zz = jnp.minimum(b1max, b2max)
    lens = zz - z
    eps = jnp.finfo(jnp.float32).tiny
    tag = jnp.min(lens, axis=1) > 0.0
    safe_in = jnp.where(tag[:, None],
                        jnp.clip(jnp.maximum(lens, 0.0), eps, None), 1.0)
    overlap = jnp.sum(jnp.log(safe_in), axis=1)
    neg = jnp.maximum(-lens, 0.0)
    sq = jnp.sum(neg * neg, axis=1)
    disjoint = jnp.where(sq > 0.0,
                         jnp.sqrt(jnp.where(sq > 0.0, sq, 1.0)), 0.0)
    log_inter = jnp.where(tag, overlap, disjoint)
    lens2 = b2max - b2min
    log_box2 = jnp.sum(jnp.log(jnp.clip(jnp.maximum(lens2, 0.0), eps, None)),
                       axis=1)
    pos = jnp.where(tag, jnp.exp(log_inter - log_box2), log_inter)
    tag_ref[...] = tag
    ntag_ref[...] = jnp.logical_not(tag)
    pred_ref[:, 0] = 1.0 - pos
    pred_ref[:, 1] = pos


_box = pl.pallas_call(
    _box_body,
    out_shape=[
        jax.ShapeDtypeStruct((_B,), jnp.bool_),
        jax.ShapeDtypeStruct((_B,), jnp.bool_),
        jax.ShapeDtypeStruct((_B, 2), jnp.float32),
    ],
)


def kernel(ids, min_embedding, delta_embedding):
    m1, m2, d1, d2 = _gather(min_embedding.reshape(12500, 8, _D),
                             delta_embedding.reshape(12500, 8, _D),
                             ids.reshape(2 * _B).astype(jnp.int32))
    tag, ntag, pred = _box(m1, m2, d1, d2)
    return tag, ntag, pred

# --- scband reference (transcript-rebuilt; emitter-appended) ---
"""Pipeline reference for scband-gumbel-box-dist-37434934952683 (READ-ONLY COPY).

The authoritative reference and input builder live on the scoring server;
editing this copy changes nothing except your own understanding.
"""

import jax, jax.numpy as jnp
import numpy as np


def _gradnorm_primal(x):
    return jnp.sum(jnp.log(x), axis=-1) + jnp.log(jnp.asarray(1.0, dtype=x.dtype))


@jax.custom_vjp
def gradnorm(x):
    return _gradnorm_primal(x)


def _gradnorm_fwd(x):
    return _gradnorm_primal(x), x


def _gradnorm_bwd(x, g):
    log_FX = jnp.sum(jnp.log(x), axis=-1) + jnp.log(jnp.asarray(1.0, dtype=x.dtype))
    FX = jnp.exp(log_FX)
    grad_input = 1.0 / x
    max_gi = jnp.max(grad_input, axis=1, keepdims=True)
    norm_gi = grad_input / max_gi * (0.01 / FX)[:, None]
    return (norm_gi * g[:, None],)


gradnorm.defvjp(_gradnorm_fwd, _gradnorm_bwd)


def _volumes(min_embed, max_embed):
    eps = jnp.finfo(min_embed.dtype).tiny
    lens = max_embed - min_embed
    tag = jnp.min(lens, axis=1) > 0.0
    # overlap branch: gradnorm(relu(lens).clamp_min(eps)); feed safe values on
    # disjoint rows so the (masked-out) branch stays NaN/Inf-free under autodiff.
    safe_overlap_in = jnp.where(tag[:, None], jnp.clip(jax.nn.relu(lens), eps, None), 1.0)
    overlap_m = gradnorm(safe_overlap_in)
    # disjoint branch: ||relu(-lens)||_2 with safe sqrt at zero
    neg = jax.nn.relu(-lens)
    sq = jnp.sum(neg * neg, axis=1)
    safe_sq = jnp.where(sq > 0.0, sq, 1.0)
    disjoint_m = jnp.where(sq > 0.0, jnp.sqrt(safe_sq), 0.0)
    measures = jnp.where(tag, overlap_m, disjoint_m)
    return tag, measures


def _forward(ids, min_embedding, delta_embedding):
    min_rep = jnp.take(min_embedding, ids, axis=0)      # [B, 2, D]
    delta_rep = jnp.take(delta_embedding, ids, axis=0)  # [B, 2, D]
    max_rep = min_rep + jnp.exp(delta_rep)
    b1_min, b1_max = min_rep[:, 0, :], max_rep[:, 0, :]
    b2_min, b2_max = min_rep[:, 1, :], max_rep[:, 1, :]
    # intersection box
    z = jnp.maximum(b1_min, b2_min)
    Z = jnp.minimum(b1_max, b2_max)
    tag, log_inter = _volumes(z, Z)
    _, log_box2 = _volumes(b2_min, b2_max)
    pos = jnp.where(tag, jnp.exp(log_inter - log_box2), log_inter)
    neg_pred = jnp.ones_like(pos) - pos
    prediction = jnp.stack([neg_pred, pos], axis=1)  # [B, 2]
    return tag, jnp.logical_not(tag), prediction


def setup_inputs(seed: int = 0):
    key = jax.random.key(seed)
    k1, k2, k3 = jax.random.split(key, 3)
    movie_size, output_dim, batch = 100000, 64, 4096
    ids = jax.random.randint(k1, (batch, 2), 0, movie_size, dtype=jnp.int64 if jax.config.jax_enable_x64 else jnp.int32)
    min_embedding = jax.random.uniform(k2, (movie_size, output_dim), dtype=jnp.float32, minval=1e-4, maxval=0.1)
    delta_embedding = jax.random.uniform(k3, (movie_size, output_dim), dtype=jnp.float32, minval=-0.2, maxval=-0.01)
    return {"ids": ids, "min_embedding": min_embedding, "delta_embedding": delta_embedding}


def reference(ids, min_embedding, delta_embedding):
    return _forward(ids, min_embedding, delta_embedding)

if __name__ == "__main__":
    import jax
    _d = setup_inputs()
    print(jax.jit(kernel)(*tuple(_d.values())))

</pallas_src>

<mosaic_0001>
#map = affine_map<(d0, d1) -> (0, 0, 0)>
#map1 = affine_map<(d0, d1) -> (0)>
#map2 = affine_map<(d0, d1) -> (0, 0)>
module attributes {stable_mosaic.version = 14 : i64} {
  func.func @_gather_body(%arg0: i32, %arg1: i32, %arg2: memref<12500x8x64xf32, #tpu.memory_space<hbm>>, %arg3: memref<12500x8x64xf32, #tpu.memory_space<hbm>>, %arg4: memref<8192xi32, #tpu.memory_space<hbm>>, %arg5: memref<4096x64xf32, #tpu.memory_space<hbm>>, %arg6: memref<4096x64xf32, #tpu.memory_space<hbm>>, %arg7: memref<4096x64xf32, #tpu.memory_space<hbm>>, %arg8: memref<4096x64xf32, #tpu.memory_space<hbm>>, %arg9: memref<256xi32, #tpu.memory_space<vmem>>, %arg10: memref<128x64xf32, #tpu.memory_space<vmem>>, %arg11: memref<128x64xf32, #tpu.memory_space<vmem>>, %arg12: memref<128x64xf32, #tpu.memory_space<vmem>>, %arg13: memref<128x64xf32, #tpu.memory_space<vmem>>, %arg14: memref<!tpu.dma_semaphore, #tpu.memory_space<semaphore_mem>>) attributes {dimension_semantics = [#tpu.dimension_semantics<core_parallel>, #tpu.dimension_semantics<subcore_parallel>], iteration_bounds = array<i64: 2, 16>, scalar_prefetch = 0 : i64, scratch_operands = 6 : i64, tpu.core_type = #tpu.core_type<sc_vector_subcore>, window_params = [{transform_indices = #map}, {transform_indices = #map}, {transform_indices = #map1}, {transform_indices = #map2}, {transform_indices = #map2}, {transform_indices = #map2}, {transform_indices = #map2}]} {
    %mul3A = arith.constant 2 : i32
    %mul3A_0 = arith.muli %arg1, %mul3A : i32
    %add3A = arith.addi %mul3A_0, %arg0 : i32
    %mul3A_1 = arith.constant 128 : i32
    %mul3A_2 = arith.muli %add3A, %mul3A_1 : i32
    %mul3A_3 = arith.constant 2 : i32
    %mul3A_4 = arith.muli %mul3A_3, %mul3A_2 : i32
    "tpu.region"() ({
      %run_scoped3A = tpu.sem_alloc : memref<!tpu.dma_semaphore, #tpu.memory_space<semaphore_mem>>
      %dma_start3A = tpu.memref_slice %arg4[%mul3A_4] : memref<8192xi32, #tpu.memory_space<hbm>> -> memref<256xi32, #tpu.memory_space<hbm>>
      %dma_start3A_33 = tpu.memref_slice %arg4[%mul3A_4] : memref<8192xi32, #tpu.memory_space<hbm>> -> memref<256xi32, #tpu.memory_space<hbm>>
      tpu.enqueue_dma source(%dma_start3A_33 : memref<256xi32, #tpu.memory_space<hbm>>) target(%arg9 : memref<256xi32, #tpu.memory_space<vmem>>) target_semaphore(%run_scoped3A : memref<!tpu.dma_semaphore, #tpu.memory_space<semaphore_mem>>)
      %dma_wait3A_34 = tpu.memref_slice %arg4[%mul3A_4] : memref<8192xi32, #tpu.memory_space<hbm>> -> memref<256xi32, #tpu.memory_space<hbm>>
      %dma_wait3A_35 = tpu.memref_slice %arg4[%mul3A_4] : memref<8192xi32, #tpu.memory_space<hbm>> -> memref<256xi32, #tpu.memory_space<hbm>>
      tpu.wait_dma2 semaphore(%run_scoped3A : memref<!tpu.dma_semaphore, #tpu.memory_space<semaphore_mem>>) src(%dma_wait3A_35 : memref<256xi32, #tpu.memory_space<hbm>>) dst(%arg9 : memref<256xi32, #tpu.memory_space<vmem>>)
      tpu.yield
    }) : () -> ()
    %iota3A = tpu.iota {dimensions = array<i32: 0>} : vector<16xi32>
    %scan3A = arith.constant 0 : i32
    %scan3A_5 = arith.constant 0 : i32
    %scan3A_6 = arith.constant 16 : i32
    %scan3A_7 = arith.addi %scan3A_5, %scan3A_6 : i32
    %scan3A_8 = arith.constant 1 : i32
    scf.for %scan3A_33 = %scan3A_5 to %scan3A_7 step %scan3A_8  : i32 {
      %mul3A_34 = arith.constant 16 : i32
      %mul3A_35 = arith.muli %mul3A_34, %scan3A_33 : i32
      %get3A = arith.index_cast %mul3A_35 : i32 to index
      %get3A_36 = tpu.vector_load %arg9[%get3A] {strides = array<i32>} : memref<256xi32, #tpu.memory_space<vmem>>, vector<16xi32>,
      %eq3A = arith.constant 0 : i32
      %eq3A_37 = vector.broadcast %eq3A : i32 to vector<16xi32>
      %eq3A_38 = arith.cmpi eq, %iota3A, %eq3A_37 : vector<16xi32>
      %jit3A = arith.constant 0 : i32
      %broadcast_in_dim3A = vector.broadcast %jit3A : i32 to vector<16xi32>
      %select_n3A = arith.select %eq3A_38, %get3A_36, %broadcast_in_dim3A : vector<16xi1>, vector<16xi32>
      %reduce_sum3A = arith.constant true
      %reduce_sum3A_39 = vector.broadcast %reduce_sum3A : i1 to vector<16xi1>
      %reduce_sum3A_40 = tpu.scan <sum>, %select_n3A masked %reduce_sum3A_39 : vector<16xi32>, vector<16xi1> -> vector<16xi32>
      %reduce_sum3A_41 = vector.extract %reduce_sum3A_40[15] : i32 from vector<16xi32>
      %mul3A_42 = arith.constant 8 : i32
      %mul3A_43 = arith.muli %mul3A_42, %scan3A_33 : i32
      %add3A_44 = arith.constant 0 : i32
      %add3A_45 = arith.addi %mul3A_43, %add3A_44 : i32
      %shift_right_arithmetic3A = arith.constant 3 : i32
      %shift_right_arithmetic3A_46 = arith.shrsi %reduce_sum3A_41, %shift_right_arithmetic3A : i32
      %and3A = arith.constant 7 : i32
      %and3A_47 = arith.andi %reduce_sum3A_41, %and3A : i32
      %dma_start3A = arith.constant 0 : i32
      %dma_start3A_48 = tpu.memref_slice %arg10[%add3A_45, %dma_start3A] : memref<128x64xf32, #tpu.memory_space<vmem>> -> memref<1x64xf32, #tpu.memory_space<vmem>>
      %dma_start3A_49 = tpu.memref_squeeze %dma_start3A_48 : memref<1x64xf32, #tpu.memory_space<vmem>> -> memref<64xf32, #tpu.memory_space<vmem>>
      %dma_start3A_50 = arith.constant 0 : i32
      %dma_start3A_51 = tpu.memref_slice %arg2[%shift_right_arithmetic3A_46, %and3A_47, %dma_start3A_50] : memref<12500x8x64xf32, #tpu.memory_space<hbm>> -> memref<1x1x64xf32, #tpu.memory_space<hbm>>
      %dma_start3A_52 = tpu.memref_squeeze %dma_start3A_51 : memref<1x1x64xf32, #tpu.memory_space<hbm>> -> memref<64xf32, #tpu.memory_space<hbm>>
      %dma_start3A_53 = arith.constant 0 : i32
      %dma_start3A_54 = tpu.memref_slice %arg10[%add3A_45, %dma_start3A_53] : memref<128x64xf32, #tpu.memory_space<vmem>> -> memref<1x64xf32, #tpu.memory_space<vmem>>
      %dma_start3A_55 = tpu.memref_squeeze %dma_start3A_54 : memref<1x64xf32, #tpu.memory_space<vmem>> -> memref<64xf32, #tpu.memory_space<vmem>>
      %dma_start3A_56 = arith.constant 0 : i32
      %dma_start3A_57 = tpu.memref_slice %arg2[%shift_right_arithmetic3A_46, %and3A_47, %dma_start3A_56] : memref<12500x8x64xf32, #tpu.memory_space<hbm>> -> memref<1x1x64xf32, #tpu.memory_space<hbm>>
      %dma_start3A_58 = tpu.memref_squeeze %dma_start3A_57 : memref<1x1x64xf32, #tpu.memory_space<hbm>> -> memref<64xf32, #tpu.memory_space<hbm>>
      tpu.enqueue_dma source(%dma_start3A_58 : memref<64xf32, #tpu.memory_space<hbm>>) target(%dma_start3A_55 : memref<64xf32, #tpu.memory_space<vmem>>) target_semaphore(%arg14 : memref<!tpu.dma_semaphore, #tpu.memory_space<semaphore_mem>>)
      %shift_right_arithmetic3A_59 = arith.constant 3 : i32
      %shift_right_arithmetic3A_60 = arith.shrsi %reduce_sum3A_41, %shift_right_arithmetic3A_59 : i32
      %and3A_61 = arith.constant 7 : i32
      %and3A_62 = arith.andi %reduce_sum3A_41, %and3A_61 : i32
      %dma_start3A_63 = arith.constant 0 : i32
      %dma_start3A_64 = tpu.memref_slice %arg12[%add3A_45, %dma_start3A_63] : memref<128x64xf32, #tpu.memory_space<vmem>> -> memref<1x64xf32, #tpu.memory_space<vmem>>
      %dma_start3A_65 = tpu.memref_squeeze %dma_start3A_64 : memref<1x64xf32, #tpu.memory_space<vmem>> -> memref<64xf32, #tpu.memory_space<vmem>>
      %dma_start3A_66 = arith.constant 0 : i32
      %dma_start3A_67 = tpu.memref_slice %arg3[%shift_right_arithmetic3A_60, %and3A_62, %dma_start3A_66] : memref<12500x8x64xf32, #tpu.memory_space<hbm>> -> memref<1x1x64xf32, #tpu.memory_space<hbm>>
      %dma_start3A_68 = tpu.memref_squeeze %dma_start3A_67 : memref<1x1x64xf32, #tpu.memory_space<hbm>> -> memref<64xf32, #tpu.memory_space<hbm>>
      %dma_start3A_69 = arith.constant 0 : i32
      %dma_start3A_70 = tpu.memref_slice %arg12[%add3A_45, %dma_start3A_69] : memref<128x64xf32, #tpu.memory_space<vmem>> -> memref<1x64xf32, #tpu.memory_space<vmem>>
      %dma_start3A_71 = tpu.memref_squeeze %dma_start3A_70 : memref<1x64xf32, #tpu.memory_space<vmem>> -> memref<64xf32, #tpu.memory_space<vmem>>
      %dma_start3A_72 = arith.constant 0 : i32
      %dma_start3A_73 = tpu.memref_slice %arg3[%shift_right_arithmetic3A_60, %and3A_62, %dma_start3A_72] : memref<12500x8x64xf32, #tpu.memory_space<hbm>> -> memref<1x1x64xf32, #tpu.memory_space<hbm>>
      %dma_start3A_74 = tpu.memref_squeeze %dma_start3A_73 : memref<1x1x64xf32, #tpu.memory_space<hbm>> -> memref<64xf32, #tpu.memory_space<hbm>>
      tpu.enqueue_dma source(%dma_start3A_74 : memref<64xf32, #tpu.memory_space<hbm>>) target(%dma_start3A_71 : memref<64xf32, #tpu.memory_space<vmem>>) target_semaphore(%arg14 : memref<!tpu.dma_semaphore, #tpu.memory_space<semaphore_mem>>)
      %eq3A_75 = arith.constant 1 : i32
      %eq3A_76 = vector.broadcast %eq3A_75 : i32 to vector<16xi32>
      %eq3A_77 = arith.cmpi eq, %iota3A, %eq3A_76 : vector<16xi32>
      %jit3A_78 = arith.constant 0 : i32
      %broadcast_in_dim3A_79 = vector.broadcast %jit3A_78 : i32 to vector<16xi32>
      %select_n3A_80 = arith.select %eq3A_77, %get3A_36, %broadcast_in_dim3A_79 : vector<16xi1>, vector<16xi32>
      %reduce_sum3A_81 = arith.constant true
      %reduce_sum3A_82 = vector.broadcast %reduce_sum3A_81 : i1 to vector<16xi1>
      %reduce_sum3A_83 = tpu.scan <sum>, %select_n3A_80 masked %reduce_sum3A_82 : vector<16xi32>, vector<16xi1> -> vector<16xi32>
      %reduce_sum3A_84 = vector.extract %reduce_sum3A_83[15] : i32 from vector<16xi32>
      %mul3A_85 = arith.constant 8 : i32
      %mul3A_86 = arith.muli %mul3A_85, %scan3A_33 : i32
      %add3A_87 = arith.constant 0 : i32
      %add3A_88 = arith.addi %mul3A_86, %add3A_87 : i32
      %shift_right_arithmetic3A_89 = arith.constant 3 : i32
      %shift_right_arithmetic3A_90 = arith.shrsi %reduce_sum3A_84, %shift_right_arithmetic3A_89 : i32
      %and3A_91 = arith.constant 7 : i32
      %and3A_92 = arith.andi %reduce_sum3A_84, %and3A_91 : i32
      %dma_start3A_93 = arith.constant 0 : i32
      %dma_start3A_94 = tpu.memref_slice %arg11[%add3A_88, %dma_start3A_93] : memref<128x64xf32, #tpu.memory_space<vmem>> -> memref<1x64xf32, #tpu.memory_space<vmem>>
      %dma_start3A_95 = tpu.memref_squeeze %dma_start3A_94 : memref<1x64xf32, #tpu.memory_space<vmem>> -> memref<64xf32, #tpu.memory_space<vmem>>
      %dma_start3A_96 = arith.constant 0 : i32
      %dma_start3A_97 = tpu.memref_slice %arg2[%shift_right_arithmetic3A_90, %and3A_92, %dma_start3A_96] : memref<12500x8x64xf32, #tpu.memory_space<hbm>> -> memref<1x1x64xf32, #tpu.memory_space<hbm>>
      %dma_start3A_98 = tpu.memref_squeeze %dma_start3A_97 : memref<1x1x64xf32, #tpu.memory_space<hbm>> -> memref<64xf32, #tpu.memory_space<hbm>>
      %dma_start3A_99 = arith.constant 0 : i32
      %dma_start3A_100 = tpu.memref_slice %arg11[%add3A_88, %dma_start3A_99] : memref<128x64xf32, #tpu.memory_space<vmem>> -> memref<1x64xf32, #tpu.memory_space<vmem>>
      %dma_start3A_101 = tpu.memref_squeeze %dma_start3A_100 : memref<1x64xf32, #tpu.memory_space<vmem>> -> memref<64xf32, #tpu.memory_space<vmem>>
      %dma_start3A_102 = arith.constant 0 : i32
      %dma_start3A_103 = tpu.memref_slice %arg2[%shift_right_arithmetic3A_90, %and3A_92, %dma_start3A_102] : memref<12500x8x64xf32, #tpu.memory_space<hbm>> -> memref<1x1x64xf32, #tpu.memory_space<hbm>>
      %dma_start3A_104 = tpu.memref_squeeze %dma_start3A_103 : memref<1x1x64xf32, #tpu.memory_space<hbm>> -> memref<64xf32, #tpu.memory_space<hbm>>
      tpu.enqueue_dma source(%dma_start3A_104 : memref<64xf32, #tpu.memory_space<hbm>>) target(%dma_start3A_101 : memref<64xf32, #tpu.memory_space<vmem>>) target_semaphore(%arg14 : memref<!tpu.dma_semaphore, #tpu.memory_space<semaphore_mem>>)
      %shift_right_arithmetic3A_105 = arith.constant 3 : i32
      %shift_right_arithmetic3A_106 = arith.shrsi %reduce_sum3A_84, %shift_right_arithmetic3A_105 : i32
      %and3A_107 = arith.constant 7 : i32
      %and3A_108 = arith.andi %reduce_sum3A_84, %and3A_107 : i32
      %dma_start3A_109 = arith.constant 0 : i32
      %dma_start3A_110 = tpu.memref_slice %arg13[%add3A_88, %dma_start3A_109] : memref<128x64xf32, #tpu.memory_space<vmem>> -> memref<1x64xf32, #tpu.memory_space<vmem>>
      %dma_start3A_111 = tpu.memref_squeeze %dma_start3A_110 : memref<1x64xf32, #tpu.memory_space<vmem>> -> memref<64xf32, #tpu.memory_space<vmem>>
      %dma_start3A_112 = arith.constant 0 : i32
      %dma_start3A_113 = tpu.memref_slice %arg3[%shift_right_arithmetic3A_106, %and3A_108, %dma_start3A_112] : memref<12500x8x64xf32, #tpu.memory_space<hbm>> -> memref<1x1x64xf32, #tpu.memory_space<hbm>>
      %dma_start3A_114 = tpu.memref_squeeze %dma_start3A_113 : memref<1x1x64xf32, #tpu.memory_space<hbm>> -> memref<64xf32, #tpu.memory_space<hbm>>
      %dma_start3A_115 = arith.constant 0 : i32
      %dma_start3A_116 = tpu.memref_slice %arg13[%add3A_88, %dma_start3A_115] : memref<128x64xf32, #tpu.memory_space<vmem>> -> memref<1x64xf32, #tpu.memory_space<vmem>>
      %dma_start3A_117 = tpu.memref_squeeze %dma_start3A_116 : memref<1x64xf32, #tpu.memory_space<vmem>> -> memref<64xf32, #tpu.memory_space<vmem>>
      %dma_start3A_118 = arith.constant 0 : i32
      %dma_start3A_119 = tpu.memref_slice %arg3[%shift_right_arithmetic3A_106, %and3A_108, %dma_start3A_118] : memref<12500x8x64xf32, #tpu.memory_space<hbm>> -> memref<1x1x64xf32, #tpu.memory_space<hbm>>
      %dma_start3A_120 = tpu.memref_squeeze %dma_start3A_119 : memref<1x1x64xf32, #tpu.memory_space<hbm>> -> memref<64xf32, #tpu.memory_space<hbm>>
      tpu.enqueue_dma source(%dma_start3A_120 : memref<64xf32, #tpu.memory_space<hbm>>) target(%dma_start3A_117 : memref<64xf32, #tpu.memory_space<vmem>>) target_semaphore(%arg14 : memref<!tpu.dma_semaphore, #tpu.memory_space<semaphore_mem>>)
      %eq3A_121 = arith.constant 2 : i32
      %eq3A_122 = vector.broadcast %eq3A_121 : i32 to vector<16xi32>
      %eq3A_123 = arith.cmpi eq, %iota3A, %eq3A_122 : vector<16xi32>
      %jit3A_124 = arith.constant 0 : i32
      %broadcast_in_dim3A_125 = vector.broadcast %jit3A_124 : i32 to vector<16xi32>
      %select_n3A_126 = arith.select %eq3A_123, %get3A_36, %broadcast_in_dim3A_125 : vector<16xi1>, vector<16xi32>
      %reduce_sum3A_127 = arith.constant true
      %reduce_sum3A_128 = vector.broadcast %reduce_sum3A_127 : i1 to vector<16xi1>
      %reduce_sum3A_129 = tpu.scan <sum>, %select_n3A_126 masked %reduce_sum3A_128 : vector<16xi32>, vector<16xi1> -> vector<16xi32>
      %reduce_sum3A_130 = vector.extract %reduce_sum3A_129[15] : i32 from vector<16xi32>
      %mul3A_131 = arith.constant 8 : i32
      %mul3A_132 = arith.muli %mul3A_131, %scan3A_33 : i32
      %add3A_133 = arith.constant 1 : i32
      %add3A_134 = arith.addi %mul3A_132, %add3A_133 : i32
      %shift_right_arithmetic3A_135 = arith.constant 3 : i32
      %shift_right_arithmetic3A_136 = arith.shrsi %reduce_sum3A_130, %shift_right_arithmetic3A_135 : i32
      %and3A_137 = arith.constant 7 : i32
      %and3A_138 = arith.andi %reduce_sum3A_130, %and3A_137 : i32
      %dma_start3A_139 = arith.constant 0 : i32
      %dma_start3A_140 = tpu.memref_slice %arg10[%add3A_134, %dma_start3A_139] : memref<128x64xf32, #tpu.memory_space<vmem>> -> memref<1x64xf32, #tpu.memory_space<vmem>>
      %dma_start3A_141 = tpu.memref_squeeze %dma_start3A_140 : memref<1x64xf32, #tpu.memory_space<vmem>> -> memref<64xf32, #tpu.memory_space<vmem>>
      %dma_start3A_142 = arith.constant 0 : i32
      %dma_start3A_143 = tpu.memref_slice %arg2[%shift_right_arithmetic3A_136, %and3A_138, %dma_start3A_142] : memref<12500x8x64xf32, #tpu.memory_space<hbm>> -> memref<1x1x64xf32, #tpu.memory_space<hbm>>
      %dma_start3A_144 = tpu.memref_squeeze %dma_start3A_143 : memref<1x1x64xf32, #tpu.memory_space<hbm>> -> memref<64xf32, #tpu.memory_space<hbm>>
      %dma_start3A_145 = arith.constant 0 : i32
      %dma_start3A_146 = tpu.memref_slice %arg10[%add3A_134, %dma_start3A_145] : memref<128x64xf32, #tpu.memory_space<vmem>> -> memref<1x64xf32, #tpu.memory_space<vmem>>
      %dma_start3A_147 = tpu.memref_squeeze %dma_start3A_146 : memref<1x64xf32, #tpu.memory_space<vmem>> -> memref<64xf32, #tpu.memory_space<vmem>>
      %dma_start3A_148 = arith.constant 0 : i32
      %dma_start3A_149 = tpu.memref_slice %arg2[%shift_right_arithmetic3A_136, %and3A_138, %dma_start3A_148] : memref<12500x8x64xf32, #tpu.memory_space<hbm>> -> memref<1x1x64xf32, #tpu.memory_space<hbm>>
      %dma_start3A_150 = tpu.memref_squeeze %dma_start3A_149 : memref<1x1x64xf32, #tpu.memory_space<hbm>> -> memref<64xf32, #tpu.memory_space<hbm>>
      tpu.enqueue_dma source(%dma_start3A_150 : memref<64xf32, #tpu.memory_space<hbm>>) target(%dma_start3A_147 : memref<64xf32, #tpu.memory_space<vmem>>) target_semaphore(%arg14 : memref<!tpu.dma_semaphore, #tpu.memory_space<semaphore_mem>>)
      %shift_right_arithmetic3A_151 = arith.constant 3 : i32
      %shift_right_arithmetic3A_152 = arith.shrsi %reduce_sum3A_130, %shift_right_arithmetic3A_151 : i32
      %and3A_153 = arith.constant 7 : i32
      %and3A_154 = arith.andi %reduce_sum3A_130, %and3A_153 : i32
      %dma_start3A_155 = arith.constant 0 : i32
      %dma_start3A_156 = tpu.memref_slice %arg12[%add3A_134, %dma_start3A_155] : memref<128x64xf32, #tpu.memory_space<vmem>> -> memref<1x64xf32, #tpu.memory_space<vmem>>
      %dma_start3A_157 = tpu.memref_squeeze %dma_start3A_156 : memref<1x64xf32, #tpu.memory_space<vmem>> -> memref<64xf32, #tpu.memory_space<vmem>>
      %dma_start3A_158 = arith.constant 0 : i32
      %dma_start3A_159 = tpu.memref_slice %arg3[%shift_right_arithmetic3A_152, %and3A_154, %dma_start3A_158] : memref<12500x8x64xf32, #tpu.memory_space<hbm>> -> memref<1x1x64xf32, #tpu.memory_space<hbm>>
      %dma_start3A_160 = tpu.memref_squeeze %dma_start3A_159 : memref<1x1x64xf32, #tpu.memory_space<hbm>> -> memref<64xf32, #tpu.memory_space<hbm>>
      %dma_start3A_161 = arith.constant 0 : i32
      %dma_start3A_162 = tpu.memref_slice %arg12[%add3A_134, %dma_start3A_161] : memref<128x64xf32, #tpu.memory_space<vmem>> -> memref<1x64xf32, #tpu.memory_space<vmem>>
      %dma_start3A_163 = tpu.memref_squeeze %dma_start3A_162 : memref<1x64xf32, #tpu.memory_space<vmem>> -> memref<64xf32, #tpu.memory_space<vmem>>
      %dma_start3A_164 = arith.constant 0 : i32
      %dma_start3A_165 = tpu.memref_slice %arg3[%shift_right_arithmetic3A_152, %and3A_154, %dma_start3A_164] : memref<12500x8x64xf32, #tpu.memory_space<hbm>> -> memref<1x1x64xf32, #tpu.memory_space<hbm>>
      %dma_start3A_166 = tpu.memref_squeeze %dma_start3A_165 : memref<1x1x64xf32, #tpu.memory_space<hbm>> -> memref<64xf32, #tpu.memory_space<hbm>>
      tpu.enqueue_dma source(%dma_start3A_166 : memref<64xf32, #tpu.memory_space<hbm>>) target(%dma_start3A_163 : memref<64xf32, #tpu.memory_space<vmem>>) target_semaphore(%arg14 : memref<!tpu.dma_semaphore, #tpu.memory_space<semaphore_mem>>)
      %eq3A_167 = arith.constant 3 : i32
      %eq3A_168 = vector.broadcast %eq3A_167 : i32 to vector<16xi32>
      %eq3A_169 = arith.cmpi eq, %iota3A, %eq3A_168 : vector<16xi32>
      %jit3A_170 = arith.constant 0 : i32
      %broadcast_in_dim3A_171 = vector.broadcast %jit3A_170 : i32 to vector<16xi32>
      %select_n3A_172 = arith.select %eq3A_169, %get3A_36, %broadcast_in_dim3A_171 : vector<16xi1>, vector<16xi32>
      %reduce_sum3A_173 = arith.constant true
      %reduce_sum3A_174 = vector.broadcast %reduce_sum3A_173 : i1 to vector<16xi1>
      %reduce_sum3A_175 = tpu.scan <sum>, %select_n3A_172 masked %reduce_sum3A_174 : vector<16xi32>, vector<16xi1> -> vector<16xi32>
      %reduce_sum3A_176 = vector.extract %reduce_sum3A_175[15] : i32 from vector<16xi32>
      %mul3A_177 = arith.constant 8 : i32
      %mul3A_178 = arith.muli %mul3A_177, %scan3A_33 : i32
      %add3A_179 = arith.constant 1 : i32
      %add3A_180 = arith.addi %mul3A_178, %add3A_179 : i32
      %shift_right_arithmetic3A_181 = arith.constant 3 : i32
      %shift_right_arithmetic3A_182 = arith.shrsi %reduce_sum3A_176, %shift_right_arithmetic3A_181 : i32
      %and3A_183 = arith.constant 7 : i32
      %and3A_184 = arith.andi %reduce_sum3A_176, %and3A_183 : i32
      %dma_start3A_185 = arith.constant 0 : i32
      %dma_start3A_186 = tpu.memref_slice %arg11[%add3A_180, %dma_start3A_185] : memref<128x64xf32, #tpu.memory_space<vmem>> -> memref<1x64xf32, #tpu.memory_space<vmem>>
      %dma_start3A_187 = tpu.memref_squeeze %dma_start3A_186 : memref<1x64xf32, #tpu.memory_space<vmem>> -> memref<64xf32, #tpu.memory_space<vmem>>
      %dma_start3A_188 = arith.constant 0 : i32
      %dma_start3A_189 = tpu.memref_slice %arg2[%shift_right_arithmetic3A_182, %and3A_184, %dma_start3A_188] : memref<12500x8x64xf32, #tpu.memory_space<hbm>> -> memref<1x1x64xf32, #tpu.memory_space<hbm>>
      %dma_start3A_190 = tpu.memref_squeeze %dma_start3A_189 : memref<1x1x64xf32, #tpu.memory_space<hbm>> -> memref<64xf32, #tpu.memory_space<hbm>>
      %dma_start3A_191 = arith.constant 0 : i32
      %dma_start3A_192 = tpu.memref_slice %arg11[%add3A_180, %dma_start3A_191] : memref<128x64xf32, #tpu.memory_space<vmem>> -> memref<1x64xf32, #tpu.memory_space<vmem>>
      %dma_start3A_193 = tpu.memref_squeeze %dma_start3A_192 : memref<1x64xf32, #tpu.memory_space<vmem>> -> memref<64xf32, #tpu.memory_space<vmem>>
      %dma_start3A_194 = arith.constant 0 : i32
      %dma_start3A_195 = tpu.memref_slice %arg2[%shift_right_arithmetic3A_182, %and3A_184, %dma_start3A_194] : memref<12500x8x64xf32, #tpu.memory_space<hbm>> -> memref<1x1x64xf32, #tpu.memory_space<hbm>>
      %dma_start3A_196 = tpu.memref_squeeze %dma_start3A_195 : memref<1x1x64xf32, #tpu.memory_space<hbm>> -> memref<64xf32, #tpu.memory_space<hbm>>
      tpu.enqueue_dma source(%dma_start3A_196 : memref<64xf32, #tpu.memory_space<hbm>>) target(%dma_start3A_193 : memref<64xf32, #tpu.memory_space<vmem>>) target_semaphore(%arg14 : memref<!tpu.dma_semaphore, #tpu.memory_space<semaphore_mem>>)
      %shift_right_arithmetic3A_197 = arith.constant 3 : i32
      %shift_right_arithmetic3A_198 = arith.shrsi %reduce_sum3A_176, %shift_right_arithmetic3A_197 : i32
      %and3A_199 = arith.constant 7 : i32
      %and3A_200 = arith.andi %reduce_sum3A_176, %and3A_199 : i32
      %dma_start3A_201 = arith.constant 0 : i32
      %dma_start3A_202 = tpu.memref_slice %arg13[%add3A_180, %dma_start3A_201] : memref<128x64xf32, #tpu.memory_space<vmem>> -> memref<1x64xf32, #tpu.memory_space<vmem>>
      %dma_start3A_203 = tpu.memref_squeeze %dma_start3A_202 : memref<1x64xf32, #tpu.memory_space<vmem>> -> memref<64xf32, #tpu.memory_space<vmem>>
      %dma_start3A_204 = arith.constant 0 : i32
      %dma_start3A_205 = tpu.memref_slice %arg3[%shift_right_arithmetic3A_198, %and3A_200, %dma_start3A_204] : memref<12500x8x64xf32, #tpu.memory_space<hbm>> -> memref<1x1x64xf32, #tpu.memory_space<hbm>>
      %dma_start3A_206 = tpu.memref_squeeze %dma_start3A_205 : memref<1x1x64xf32, #tpu.memory_space<hbm>> -> memref<64xf32, #tpu.memory_space<hbm>>
      %dma_start3A_207 = arith.constant 0 : i32
      %dma_start3A_208 = tpu.memref_slice %arg13[%add3A_180, %dma_start3A_207] : memref<128x64xf32, #tpu.memory_space<vmem>> -> memref<1x64xf32, #tpu.memory_space<vmem>>
      %dma_start3A_209 = tpu.memref_squeeze %dma_start3A_208 : memref<1x64xf32, #tpu.memory_space<vmem>> -> memref<64xf32, #tpu.memory_space<vmem>>
      %dma_start3A_210 = arith.constant 0 : i32
      %dma_start3A_211 = tpu.memref_slice %arg3[%shift_right_arithmetic3A_198, %and3A_200, %dma_start3A_210] : memref<12500x8x64xf32, #tpu.memory_space<hbm>> -> memref<1x1x64xf32, #tpu.memory_space<hbm>>
      %dma_start3A_212 = tpu.memref_squeeze %dma_start3A_211 : memref<1x1x64xf32, #tpu.memory_space<hbm>> -> memref<64xf32, #tpu.memory_space<hbm>>
      tpu.enqueue_dma source(%dma_start3A_212 : memref<64xf32, #tpu.memory_space<hbm>>) target(%dma_start3A_209 : memref<64xf32, #tpu.memory_space<vmem>>) target_semaphore(%arg14 : memref<!tpu.dma_semaphore, #tpu.memory_space<semaphore_mem>>)
      %eq3A_213 = arith.constant 4 : i32
      %eq3A_214 = vector.broadcast %eq3A_213 : i32 to vector<16xi32>
      %eq3A_215 = arith.cmpi eq, %iota3A, %eq3A_214 : vector<16xi32>
      %jit3A_216 = arith.constant 0 : i32
      %broadcast_in_dim3A_217 = vector.broadcast %jit3A_216 : i32 to vector<16xi32>
      %select_n3A_218 = arith.select %eq3A_215, %get3A_36, %broadcast_in_dim3A_217 : vector<16xi1>, vector<16xi32>
      %reduce_sum3A_219 = arith.constant true
      %reduce_sum3A_220 = vector.broadcast %reduce_sum3A_219 : i1 to vector<16xi1>
      %reduce_sum3A_221 = tpu.scan <sum>, %select_n3A_218 masked %reduce_sum3A_220 : vector<16xi32>, vector<16xi1> -> vector<16xi32>
      %reduce_sum3A_222 = vector.extract %reduce_sum3A_221[15] : i32 from vector<16xi32>
      %mul3A_223 = arith.constant 8 : i32
      %mul3A_224 = arith.muli %mul3A_223, %scan3A_33 : i32
      %add3A_225 = arith.constant 2 : i32
      %add3A_226 = arith.addi %mul3A_224, %add3A_225 : i32
      %shift_right_arithmetic3A_227 = arith.constant 3 : i32
      %shift_right_arithmetic3A_228 = arith.shrsi %reduce_sum3A_222, %shift_right_arithmetic3A_227 : i32
      %and3A_229 = arith.constant 7 : i32
      %and3A_230 = arith.andi %reduce_sum3A_222, %and3A_229 : i32
      %dma_start3A_231 = arith.constant 0 : i32
      %dma_start3A_232 = tpu.memref_slice %arg10[%add3A_226, %dma_start3A_231] : memref<128x64xf32, #tpu.memory_space<vmem>> -> memref<1x64xf32, #tpu.memory_space<vmem>>
      %dma_start3A_233 = tpu.memref_squeeze %dma_start3A_232 : memref<1x64xf32, #tpu.memory_space<vmem>> -> memref<64xf32, #tpu.memory_space<vmem>>
      %dma_start3A_234 = arith.constant 0 : i32
      %dma_start3A_235 = tpu.memref_slice %arg2[%shift_right_arithmetic3A_228, %and3A_230, %dma_start3A_234] : memref<12500x8x64xf32, #tpu.memory_space<hbm>> -> memref<1x1x64xf32, #tpu.memory_space<hbm>>
      %dma_start3A_236 = tpu.memref_squeeze %dma_start3A_235 : memref<1x1x64xf32, #tpu.memory_space<hbm>> -> memref<64xf32, #tpu.memory_space<hbm>>
      %dma_start3A_237 = arith.constant 0 : i32
      %dma_start3A_238 = tpu.memref_slice %arg10[%add3A_226, %dma_start3A_237] : memref<128x64xf32, #tpu.memory_space<vmem>> -> memref<1x64xf32, #tpu.memory_space<vmem>>
      %dma_start3A_239 = tpu.memref_squeeze %dma_start3A_238 : memref<1x64xf32, #tpu.memory_space<vmem>> -> memref<64xf32, #tpu.memory_space<vmem>>
      %dma_start3A_240 = arith.constant 0 : i32
      %dma_start3A_241 = tpu.memref_slice %arg2[%shift_right_arithmetic3A_228, %and3A_230, %dma_start3A_240] : memref<12500x8x64xf32, #tpu.memory_space<hbm>> -> memref<1x1x64xf32, #tpu.memory_space<hbm>>
      %dma_start3A_242 = tpu.memref_squeeze %dma_start3A_241 : memref<1x1x64xf32, #tpu.memory_space<hbm>> -> memref<64xf32, #tpu.memory_space<hbm>>
      tpu.enqueue_dma source(%dma_start3A_242 : memref<64xf32, #tpu.memory_space<hbm>>) target(%dma_start3A_239 : memref<64xf32, #tpu.memory_space<vmem>>) target_semaphore(%arg14 : memref<!tpu.dma_semaphore, #tpu.memory_space<semaphore_mem>>)
      %shift_right_arithmetic3A_243 = arith.constant 3 : i32
      %shift_right_arithmetic3A_244 = arith.shrsi %reduce_sum3A_222, %shift_right_arithmetic3A_243 : i32
      %and3A_245 = arith.constant 7 : i32
      %and3A_246 = arith.andi %reduce_sum3A_222, %and3A_245 : i32
      %dma_start3A_247 = arith.constant 0 : i32
      %dma_start3A_248 = tpu.memref_slice %arg12[%add3A_226, %dma_start3A_247] : memref<128x64xf32, #tpu.memory_space<vmem>> -> memref<1x64xf32, #tpu.memory_space<vmem>>
      %dma_start3A_249 = tpu.memref_squeeze %dma_start3A_248 : memref<1x64xf32, #tpu.memory_space<vmem>> -> memref<64xf32, #tpu.memory_space<vmem>>
      %dma_start3A_250 = arith.constant 0 : i32
      %dma_start3A_251 = tpu.memref_slice %arg3[%shift_right_arithmetic3A_244, %and3A_246, %dma_start3A_250] : memref<12500x8x64xf32, #tpu.memory_space<hbm>> -> memref<1x1x64xf32, #tpu.memory_space<hbm>>
      %dma_start3A_252 = tpu.memref_squeeze %dma_start3A_251 : memref<1x1x64xf32, #tpu.memory_space<hbm>> -> memref<64xf32, #tpu.memory_space<hbm>>
      %dma_start3A_253 = arith.constant 0 : i32
      %dma_start3A_254 = tpu.memref_slice %arg12[%add3A_226, %dma_start3A_253] : memref<128x64xf32, #tpu.memory_space<vmem>> -> memref<1x64xf32, #tpu.memory_space<vmem>>
      %dma_start3A_255 = tpu.memref_squeeze %dma_start3A_254 : memref<1x64xf32, #tpu.memory_space<vmem>> -> memref<64xf32, #tpu.memory_space<vmem>>
      %dma_start3A_256 = arith.constant 0 : i32
      %dma_start3A_257 = tpu.memref_slice %arg3[%shift_right_arithmetic3A_244, %and3A_246, %dma_start3A_256] : memref<12500x8x64xf32, #tpu.memory_space<hbm>> -> memref<1x1x64xf32, #tpu.memory_space<hbm>>
      %dma_start3A_258 = tpu.memref_squeeze %dma_start3A_257 : memref<1x1x64xf32, #tpu.memory_space<hbm>> -> memref<64xf32, #tpu.memory_space<hbm>>
      tpu.enqueue_dma source(%dma_start3A_258 : memref<64xf32, #tpu.memory_space<hbm>>) target(%dma_start3A_255 : memref<64xf32, #tpu.memory_space<vmem>>) target_semaphore(%arg14 : memref<!tpu.dma_semaphore, #tpu.memory_space<semaphore_mem>>)
      %eq3A_259 = arith.constant 5 : i32
      %eq3A_260 = vector.broadcast %eq3A_259 : i32 to vector<16xi32>
      %eq3A_261 = arith.cmpi eq, %iota3A, %eq3A_260 : vector<16xi32>
      %jit3A_262 = arith.constant 0 : i32
      %broadcast_in_dim3A_263 = vector.broadcast %jit3A_262 : i32 to vector<16xi32>
      %select_n3A_264 = arith.select %eq3A_261, %get3A_36, %broadcast_in_dim3A_263 : vector<16xi1>, vector<16xi32>
      %reduce_sum3A_265 = arith.constant true
      %reduce_sum3A_266 = vector.broadcast %reduce_sum3A_265 : i1 to vector<16xi1>
      %reduce_sum3A_267 = tpu.scan <sum>, %select_n3A_264 masked %reduce_sum3A_266 : vector<16xi32>, vector<16xi1> -> vector<16xi32>
      %reduce_sum3A_268 = vector.extract %reduce_sum3A_267[15] : i32 from vector<16xi32>
      %mul3A_269 = arith.constant 8 : i32
      %mul3A_270 = arith.muli %mul3A_269, %scan3A_33 : i32
      %add3A_271 = arith.constant 2 : i32
      %add3A_272 = arith.addi %mul3A_270, %add3A_271 : i32
      %shift_right_arithmetic3A_273 = arith.constant 3 : i32
      %shift_right_arithmetic3A_274 = arith.shrsi %reduce_sum3A_268, %shift_right_arithmetic3A_273 : i32
      %and3A_275 = arith.constant 7 : i32
      %and3A_276 = arith.andi %reduce_sum3A_268, %and3A_275 : i32
      %dma_start3A_277 = arith.constant 0 : i32
      %dma_start3A_278 = tpu.memref_slice %arg11[%add3A_272, %dma_start3A_277] : memref<128x64xf32, #tpu.memory_space<vmem>> -> memref<1x64xf32, #tpu.memory_space<vmem>>
      %dma_start3A_279 = tpu.memref_squeeze %dma_start3A_278 : memref<1x64xf32, #tpu.memory_space<vmem>> -> memref<64xf32, #tpu.memory_space<vmem>>
      %dma_start3A_280 = arith.constant 0 : i32
      %dma_start3A_281 = tpu.memref_slice %arg2[%shift_right_arithmetic3A_274, %and3A_276, %dma_start3A_280] : memref<12500x8x64xf32, #tpu.memory_space<hbm>> -> memref<1x1x64xf32, #tpu.memory_space<hbm>>
      %dma_start3A_282 = tpu.memref_squeeze %dma_start3A_281 : memref<1x1x64xf32, #tpu.memory_space<hbm>> -> memref<64xf32, #tpu.memory_space<hbm>>
      %dma_start3A_283 = arith.constant 0 : i32
      %dma_start3A_284 = tpu.memref_slice %arg11[%add3A_272, %dma_start3A_283] : memref<128x64xf32, #tpu.memory_space<vmem>> -> memref<1x64xf32, #tpu.memory_space<vmem>>
      %dma_start3A_285 = tpu.memref_squeeze %dma_start3A_284 : memref<1x64xf32, #tpu.memory_space<vmem>> -> memref<64xf32, #tpu.memory_space<vmem>>
      %dma_start3A_286 = arith.constant 0 : i32
      %dma_start3A_287 = tpu.memref_slice %arg2[%shift_right_arithmetic3A_274, %and3A_276, %dma_start3A_286] : memref<12500x8x64xf32, #tpu.memory_space<hbm>> -> memref<1x1x64xf32, #tpu.memory_space<hbm>>
      %dma_start3A_288 = tpu.memref_squeeze %dma_start3A_287 : memref<1x1x64xf32, #tpu.memory_space<hbm>> -> memref<64xf32, #tpu.memory_space<hbm>>
      tpu.enqueue_dma source(%dma_start3A_288 : memref<64xf32, #tpu.memory_space<hbm>>) target(%dma_start3A_285 : memref<64xf32, #tpu.memory_space<vmem>>) target_semaphore(%arg14 : memref<!tpu.dma_semaphore, #tpu.memory_space<semaphore_mem>>)
      %shift_right_arithmetic3A_289 = arith.constant 3 : i32
      %shift_right_arithmetic3A_290 = arith.shrsi %reduce_sum3A_268, %shift_right_arithmetic3A_289 : i32
      %and3A_291 = arith.constant 7 : i32
      %and3A_292 = arith.andi %reduce_sum3A_268, %and3A_291 : i32
      %dma_start3A_293 = arith.constant 0 : i32
      %dma_start3A_294 = tpu.memref_slice %arg13[%add3A_272, %dma_start3A_293] : memref<128x64xf32, #tpu.memory_space<vmem>> -> memref<1x64xf32, #tpu.memory_space<vmem>>
      %dma_start3A_295 = tpu.memref_squeeze %dma_start3A_294 : memref<1x64xf32, #tpu.memory_space<vmem>> -> memref<64xf32, #tpu.memory_space<vmem>>
      %dma_start3A_296 = arith.constant 0 : i32
      %dma_start3A_297 = tpu.memref_slice %arg3[%shift_right_arithmetic3A_290, %and3A_292, %dma_start3A_296] : memref<12500x8x64xf32, #tpu.memory_space<hbm>> -> memref<1x1x64xf32, #tpu.memory_space<hbm>>
      %dma_start3A_298 = tpu.memref_squeeze %dma_start3A_297 : memref<1x1x64xf32, #tpu.memory_space<hbm>> -> memref<64xf32, #tpu.memory_space<hbm>>
      %dma_start3A_299 = arith.constant 0 : i32
      %dma_start3A_300 = tpu.memref_slice %arg13[%add3A_272, %dma_start3A_299] : memref<128x64xf32, #tpu.memory_space<vmem>> -> memref<1x64xf32, #tpu.memory_space<vmem>>
      %dma_start3A_301 = tpu.memref_squeeze %dma_start3A_300 : memref<1x64xf32, #tpu.memory_space<vmem>> -> memref<64xf32, #tpu.memory_space<vmem>>
      %dma_start3A_302 = arith.constant 0 : i32
      %dma_start3A_303 = tpu.memref_slice %arg3[%shift_right_arithmetic3A_290, %and3A_292, %dma_start3A_302] : memref<12500x8x64xf32, #tpu.memory_space<hbm>> -> memref<1x1x64xf32, #tpu.memory_space<hbm>>
      %dma_start3A_304 = tpu.memref_squeeze %dma_start3A_303 : memref<1x1x64xf32, #tpu.memory_space<hbm>> -> memref<64xf32, #tpu.memory_space<hbm>>
      tpu.enqueue_dma source(%dma_start3A_304 : memref<64xf32, #tpu.memory_space<hbm>>) target(%dma_start3A_301 : memref<64xf32, #tpu.memory_space<vmem>>) target_semaphore(%arg14 : memref<!tpu.dma_semaphore, #tpu.memory_space<semaphore_mem>>)
      %eq3A_305 = arith.constant 6 : i32
      %eq3A_306 = vector.broadcast %eq3A_305 : i32 to vector<16xi32>
      %eq3A_307 = arith.cmpi eq, %iota3A, %eq3A_306 : vector<16xi32>
      %jit3A_308 = arith.constant 0 : i32
      %broadcast_in_dim3A_309 = vector.broadcast %jit3A_308 : i32 to vector<16xi32>
      %select_n3A_310 = arith.select %eq3A_307, %get3A_36, %broadcast_in_dim3A_309 : vector<16xi1>, vector<16xi32>
      %reduce_sum3A_311 = arith.constant true
      %reduce_sum3A_312 = vector.broadcast %reduce_sum3A_311 : i1 to vector<16xi1>
      %reduce_sum3A_313 = tpu.scan <sum>, %select_n3A_310 masked %reduce_sum3A_312 : vector<16xi32>, vector<16xi1> -> vector<16xi32>
      %reduce_sum3A_314 = vector.extract %reduce_sum3A_313[15] : i32 from vector<16xi32>
      %mul3A_315 = arith.constant 8 : i32
      %mul3A_316 = arith.muli %mul3A_315, %scan3A_33 : i32
      %add3A_317 = arith.constant 3 : i32
      %add3A_318 = arith.addi %mul3A_316, %add3A_317 : i32
      %shift_right_arithmetic3A_319 = arith.constant 3 : i32
      %shift_right_arithmetic3A_320 = arith.shrsi %reduce_sum3A_314, %shift_right_arithmetic3A_319 : i32
      %and3A_321 = arith.constant 7 : i32
      %and3A_322 = arith.andi %reduce_sum3A_314, %and3A_321 : i32
      %dma_start3A_323 = arith.constant 0 : i32
      %dma_start3A_324 = tpu.memref_slice %arg10[%add3A_318, %dma_start3A_323] : memref<128x64xf32, #tpu.memory_space<vmem>> -> memref<1x64xf32, #tpu.memory_space<vmem>>
      %dma_start3A_325 = tpu.memref_squeeze %dma_start3A_324 : memref<1x64xf32, #tpu.memory_space<vmem>> -> memref<64xf32, #tpu.memory_space<vmem>>
      %dma_start3A_326 = arith.constant 0 : i32
      %dma_start3A_327 = tpu.memref_slice %arg2[%shift_right_arithmetic3A_320, %and3A_322, %dma_start3A_326] : memref<12500x8x64xf32, #tpu.memory_space<hbm>> -> memref<1x1x64xf32, #tpu.memory_space<hbm>>
      %dma_start3A_328 = tpu.memref_squeeze %dma_start3A_327 : memref<1x1x64xf32, #tpu.memory_space<hbm>> -> memref<64xf32, #tpu.memory_space<hbm>>
      %dma_start3A_329 = arith.constant 0 : i32
      %dma_start3A_330 = tpu.memref_slice %arg10[%add3A_318, %dma_start3A_329] : memref<128x64xf32, #tpu.memory_space<vmem>> -> memref<1x64xf32, #tpu.memory_space<vmem>>
      %dma_start3A_331 = tpu.memref_squeeze %dma_start3A_330 : memref<1x64xf32, #tpu.memory_space<vmem>> -> memref<64xf32, #tpu.memory_space<vmem>>
      %dma_start3A_332 = arith.constant 0 : i32
      %dma_start3A_333 = tpu.memref_slice %arg2[%shift_right_arithmetic3A_320, %and3A_322, %dma_start3A_332] : memref<12500x8x64xf32, #tpu.memory_space<hbm>> -> memref<1x1x64xf32, #tpu.memory_space<hbm>>
      %dma_start3A_334 = tpu.memref_squeeze %dma_start3A_333 : memref<1x1x64xf32, #tpu.memory_space<hbm>> -> memref<64xf32, #tpu.memory_space<hbm>>
      tpu.enqueue_dma source(%dma_start3A_334 : memref<64xf32, #tpu.memory_space<hbm>>) target(%dma_start3A_331 : memref<64xf32, #tpu.memory_space<vmem>>) target_semaphore(%arg14 : memref<!tpu.dma_semaphore, #tpu.memory_space<semaphore_mem>>)
      %shift_right_arithmetic3A_335 = arith.constant 3 : i32
      %shift_right_arithmetic3A_336 = arith.shrsi %reduce_sum3A_314, %shift_right_arithmetic3A_335 : i32
      %and3A_337 = arith.constant 7 : i32
      %and3A_338 = arith.andi %reduce_sum3A_314, %and3A_337 : i32
      %dma_start3A_339 = arith.constant 0 : i32
      %dma_start3A_340 = tpu.memref_slice %arg12[%add3A_318, %dma_start3A_339] : memref<128x64xf32, #tpu.memory_space<vmem>> -> memref<1x64xf32, #tpu.memory_space<vmem>>
      %dma_start3A_341 = tpu.memref_squeeze %dma_start3A_340 : memref<1x64xf32, #tpu.memory_space<vmem>> -> memref<64xf32, #tpu.memory_space<vmem>>
      %dma_start3A_342 = arith.constant 0 : i32
      %dma_start3A_343 = tpu.memref_slice %arg3[%shift_right_arithmetic3A_336, %and3A_338, %dma_start3A_342] : memref<12500x8x64xf32, #tpu.memory_space<hbm>> -> memref<1x1x64xf32, #tpu.memory_space<hbm>>
      %dma_start3A_344 = tpu.memref_squeeze %dma_start3A_343 : memref<1x1x64xf32, #tpu.memory_space<hbm>> -> memref<64xf32, #tpu.memory_space<hbm>>
      %dma_start3A_345 = arith.constant 0 : i32
      %dma_start3A_346 = tpu.memref_slice %arg12[%add3A_318, %dma_start3A_345] : memref<128x64xf32, #tpu.memory_space<vmem>> -> memref<1x64xf32, #tpu.memory_space<vmem>>
      %dma_start3A_347 = tpu.memref_squeeze %dma_start3A_346 : memref<1x64xf32, #tpu.memory_space<vmem>> -> memref<64xf32, #tpu.memory_space<vmem>>
      %dma_start3A_348 = arith.constant 0 : i32
      %dma_start3A_349 = tpu.memref_slice %arg3[%shift_right_arithmetic3A_336, %and3A_338, %dma_start3A_348] : memref<12500x8x64xf32, #tpu.memory_space<hbm>> -> memref<1x1x64xf32, #tpu.memory_space<hbm>>
      %dma_start3A_350 = tpu.memref_squeeze %dma_start3A_349 : memref<1x1x64xf32, #tpu.memory_space<hbm>> -> memref<64xf32, #tpu.memory_space<hbm>>
      tpu.enqueue_dma source(%dma_start3A_350 : memref<64xf32, #tpu.memory_space<hbm>>) target(%dma_start3A_347 : memref<64xf32, #tpu.memory_space<vmem>>) target_semaphore(%arg14 : memref<!tpu.dma_semaphore, #tpu.memory_space<semaphore_mem>>)
      %eq3A_351 = arith.constant 7 : i32
      %eq3A_352 = vector.broadcast %eq3A_351 : i32 to vector<16xi32>
      %eq3A_353 = arith.cmpi eq, %iota3A, %eq3A_352 : vector<16xi32>
      %jit3A_354 = arith.constant 0 : i32
      %broadcast_in_dim3A_355 = vector.broadcast %jit3A_354 : i32 to vector<16xi32>
      %select_n3A_356 = arith.select %eq3A_353, %get3A_36, %broadcast_in_dim3A_355 : vector<16xi1>, vector<16xi32>
      %reduce_sum3A_357 = arith.constant true
      %reduce_sum3A_358 = vector.broadcast %reduce_sum3A_357 : i1 to vector<16xi1>
      %reduce_sum3A_359 = tpu.scan <sum>, %select_n3A_356 masked %reduce_sum3A_358 : vector<16xi32>, vector<16xi1> -> vector<16xi32>
      %reduce_sum3A_360 = vector.extract %reduce_sum3A_359[15] : i32 from vector<16xi32>
      %mul3A_361 = arith.constant 8 : i32
      %mul3A_362 = arith.muli %mul3A_361, %scan3A_33 : i32
      %add3A_363 = arith.constant 3 : i32
      %add3A_364 = arith.addi %mul3A_362, %add3A_363 : i32
      %shift_right_arithmetic3A_365 = arith.constant 3 : i32
      %shift_right_arithmetic3A_366 = arith.shrsi %reduce_sum3A_360, %shift_right_arithmetic3A_365 : i32
      %and3A_367 = arith.constant 7 : i32
      %and3A_368 = arith.andi %reduce_sum3A_360, %and3A_367 : i32
      %dma_start3A_369 = arith.constant 0 : i32
      %dma_start3A_370 = tpu.memref_slice %arg11[%add3A_364, %dma_start3A_369] : memref<128x64xf32, #tpu.memory_space<vmem>> -> memref<1x64xf32, #tpu.memory_space<vmem>>
      %dma_start3A_371 = tpu.memref_squeeze %dma_start3A_370 : memref<1x64xf32, #tpu.memory_space<vmem>> -> memref<64xf32, #tpu.memory_space<vmem>>
      %dma_start3A_372 = arith.constant 0 : i32
      %dma_start3A_373 = tpu.memref_slice %arg2[%shift_right_arithmetic3A_366, %and3A_368, %dma_start3A_372] : memref<12500x8x64xf32, #tpu.memory_space<hbm>> -> memref<1x1x64xf32, #tpu.memory_space<hbm>>
      %dma_start3A_374 = tpu.memref_squeeze %dma_start3A_373 : memref<1x1x64xf32, #tpu.memory_space<hbm>> -> memref<64xf32, #tpu.memory_space<hbm>>
      %dma_start3A_375 = arith.constant 0 : i32
      %dma_start3A_376 = tpu.memref_slice %arg11[%add3A_364, %dma_start3A_375] : memref<128x64xf32, #tpu.memory_space<vmem>> -> memref<1x64xf32, #tpu.memory_space<vmem>>
      %dma_start3A_377 = tpu.memref_squeeze %dma_start3A_376 : memref<1x64xf32, #tpu.memory_space<vmem>> -> memref<64xf32, #tpu.memory_space<vmem>>
      %dma_start3A_378 = arith.constant 0 : i32
      %dma_start3A_379 = tpu.memref_slice %arg2[%shift_right_arithmetic3A_366, %and3A_368, %dma_start3A_378] : memref<12500x8x64xf32, #tpu.memory_space<hbm>> -> memref<1x1x64xf32, #tpu.memory_space<hbm>>
      %dma_start3A_380 = tpu.memref_squeeze %dma_start3A_379 : memref<1x1x64xf32, #tpu.memory_space<hbm>> -> memref<64xf32, #tpu.memory_space<hbm>>
      tpu.enqueue_dma source(%dma_start3A_380 : memref<64xf32, #tpu.memory_space<hbm>>) target(%dma_start3A_377 : memref<64xf32, #tpu.memory_space<vmem>>) target_semaphore(%arg14 : memref<!tpu.dma_semaphore, #tpu.memory_space<semaphore_mem>>)
      %shift_right_arithmetic3A_381 = arith.constant 3 : i32
      %shift_right_arithmetic3A_382 = arith.shrsi %reduce_sum3A_360, %shift_right_arithmetic3A_381 : i32
      %and3A_383 = arith.constant 7 : i32
      %and3A_384 = arith.andi %reduce_sum3A_360, %and3A_383 : i32
      %dma_start3A_385 = arith.constant 0 : i32
      %dma_start3A_386 = tpu.memref_slice %arg13[%add3A_364, %dma_start3A_385] : memref<128x64xf32, #tpu.memory_space<vmem>> -> memref<1x64xf32, #tpu.memory_space<vmem>>
      %dma_start3A_387 = tpu.memref_squeeze %dma_start3A_386 : memref<1x64xf32, #tpu.memory_space<vmem>> -> memref<64xf32, #tpu.memory_space<vmem>>
      %dma_start3A_388 = arith.constant 0 : i32
      %dma_start3A_389 = tpu.memref_slice %arg3[%shift_right_arithmetic3A_382, %and3A_384, %dma_start3A_388] : memref<12500x8x64xf32, #tpu.memory_space<hbm>> -> memref<1x1x64xf32, #tpu.memory_space<hbm>>
      %dma_start3A_390 = tpu.memref_squeeze %dma_start3A_389 : memref<1x1x64xf32, #tpu.memory_space<hbm>> -> memref<64xf32, #tpu.memory_space<hbm>>
      %dma_start3A_391 = arith.constant 0 : i32
      %dma_start3A_392 = tpu.memref_slice %arg13[%add3A_364, %dma_start3A_391] : memref<128x64xf32, #tpu.memory_space<vmem>> -> memref<1x64xf32, #tpu.memory_space<vmem>>
      %dma_start3A_393 = tpu.memref_squeeze %dma_start3A_392 : memref<1x64xf32, #tpu.memory_space<vmem>> -> memref<64xf32, #tpu.memory_space<vmem>>
      %dma_start3A_394 = arith.constant 0 : i32
      %dma_start3A_395 = tpu.memref_slice %arg3[%shift_right_arithmetic3A_382, %and3A_384, %dma_start3A_394] : memref<12500x8x64xf32, #tpu.memory_space<hbm>> -> memref<1x1x64xf32, #tpu.memory_space<hbm>>
      %dma_start3A_396 = tpu.memref_squeeze %dma_start3A_395 : memref<1x1x64xf32, #tpu.memory_space<hbm>> -> memref<64xf32, #tpu.memory_space<hbm>>
      tpu.enqueue_dma source(%dma_start3A_396 : memref<64xf32, #tpu.memory_space<hbm>>) target(%dma_start3A_393 : memref<64xf32, #tpu.memory_space<vmem>>) target_semaphore(%arg14 : memref<!tpu.dma_semaphore, #tpu.memory_space<semaphore_mem>>)
      %eq3A_397 = arith.constant 8 : i32
      %eq3A_398 = vector.broadcast %eq3A_397 : i32 to vector<16xi32>
      %eq3A_399 = arith.cmpi eq, %iota3A, %eq3A_398 : vector<16xi32>
      %jit3A_400 = arith.constant 0 : i32
      %broadcast_in_dim3A_401 = vector.broadcast %jit3A_400 : i32 to vector<16xi32>
      %select_n3A_402 = arith.select %eq3A_399, %get3A_36, %broadcast_in_dim3A_401 : vector<16xi1>, vector<16xi32>
      %reduce_sum3A_403 = arith.constant true
      %reduce_sum3A_404 = vector.broadcast %reduce_sum3A_403 : i1 to vector<16xi1>
      %reduce_sum3A_405 = tpu.scan <sum>, %select_n3A_402 masked %reduce_sum3A_404 : vector<16xi32>, vector<16xi1> -> vector<16xi32>
      %reduce_sum3A_406 = vector.extract %reduce_sum3A_405[15] : i32 from vector<16xi32>
      %mul3A_407 = arith.constant 8 : i32
      %mul3A_408 = arith.muli %mul3A_407, %scan3A_33 : i32
      %add3A_409 = arith.constant 4 : i32
      %add3A_410 = arith.addi %mul3A_408, %add3A_409 : i32
      %shift_right_arithmetic3A_411 = arith.constant 3 : i32
      %shift_right_arithmetic3A_412 = arith.shrsi %reduce_sum3A_406, %shift_right_arithmetic3A_411 : i32
      %and3A_413 = arith.constant 7 : i32
      %and3A_414 = arith.andi %reduce_sum3A_406, %and3A_413 : i32
      %dma_start3A_415 = arith.constant 0 : i32
      %dma_start3A_416 = tpu.memref_slice %arg10[%add3A_410, %dma_start3A_415] : memref<128x64xf32, #tpu.memory_space<vmem>> -> memref<1x64xf32, #tpu.memory_space<vmem>>
      %dma_start3A_417 = tpu.memref_squeeze %dma_start3A_416 : memref<1x64xf32, #tpu.memory_space<vmem>> -> memref<64xf32, #tpu.memory_space<vmem>>
      %dma_start3A_418 = arith.constant 0 : i32
      %dma_start3A_419 = tpu.memref_slice %arg2[%shift_right_arithmetic3A_412, %and3A_414, %dma_start3A_418] : memref<12500x8x64xf32, #tpu.memory_space<hbm>> -> memref<1x1x64xf32, #tpu.memory_space<hbm>>
      %dma_start3A_420 = tpu.memref_squeeze %dma_start3A_419 : memref<1x1x64xf32, #tpu.memory_space<hbm>> -> memref<64xf32, #tpu.memory_space<hbm>>
      %dma_start3A_421 = arith.constant 0 : i32
      %dma_start3A_422 = tpu.memref_slice %arg10[%add3A_410, %dma_start3A_421] : memref<128x64xf32, #tpu.memory_space<vmem>> -> memref<1x64xf32, #tpu.memory_space<vmem>>
      %dma_start3A_423 = tpu.memref_squeeze %dma_start3A_422 : memref<1x64xf32, #tpu.memory_space<vmem>> -> memref<64xf32, #tpu.memory_space<vmem>>
      %dma_start3A_424 = arith.constant 0 : i32
      %dma_start3A_425 = tpu.memref_slice %arg2[%shift_right_arithmetic3A_412, %and3A_414, %dma_start3A_424] : memref<12500x8x64xf32, #tpu.memory_space<hbm>> -> memref<1x1x64xf32, #tpu.memory_space<hbm>>
      %dma_start3A_426 = tpu.memref_squeeze %dma_start3A_425 : memref<1x1x64xf32, #tpu.memory_space<hbm>> -> memref<64xf32, #tpu.memory_space<hbm>>
      tpu.enqueue_dma source(%dma_start3A_426 : memref<64xf32, #tpu.memory_space<hbm>>) target(%dma_start3A_423 : memref<64xf32, #tpu.memory_space<vmem>>) target_semaphore(%arg14 : memref<!tpu.dma_semaphore, #tpu.memory_space<semaphore_mem>>)
      %shift_right_arithmetic3A_427 = arith.constant 3 : i32
      %shift_right_arithmetic3A_428 = arith.shrsi %reduce_sum3A_406, %shift_right_arithmetic3A_427 : i32
      %and3A_429 = arith.constant 7 : i32
      %and3A_430 = arith.andi %reduce_sum3A_406, %and3A_429 : i32
      %dma_start3A_431 = arith.constant 0 : i32
      %dma_start3A_432 = tpu.memref_slice %arg12[%add3A_410, %dma_start3A_431] : memref<128x64xf32, #tpu.memory_space<vmem>> -> memref<1x64xf32, #tpu.memory_space<vmem>>
      %dma_start3A_433 = tpu.memref_squeeze %dma_start3A_432 : memref<1x64xf32, #tpu.memory_space<vmem>> -> memref<64xf32, #tpu.memory_space<vmem>>
      %dma_start3A_434 = arith.constant 0 : i32
      %dma_start3A_435 = tpu.memref_slice %arg3[%shift_right_arithmetic3A_428, %and3A_430, %dma_start3A_434] : memref<12500x8x64xf32, #tpu.memory_space<hbm>> -> memref<1x1x64xf32, #tpu.memory_space<hbm>>
      %dma_start3A_436 = tpu.memref_squeeze %dma_start3A_435 : memref<1x1x64xf32, #tpu.memory_space<hbm>> -> memref<64xf32, #tpu.memory_space<hbm>>
      %dma_start3A_437 = arith.constant 0 : i32
      %dma_start3A_438 = tpu.memref_slice %arg12[%add3A_410, %dma_start3A_437] : memref<128x64xf32, #tpu.memory_space<vmem>> -> memref<1x64xf32, #tpu.memory_space<vmem>>
      %dma_start3A_439 = tpu.memref_squeeze %dma_start3A_438 : memref<1x64xf32, #tpu.memory_space<vmem>> -> memref<64xf32, #tpu.memory_space<vmem>>
      %dma_start3A_440 = arith.constant 0 : i32
      %dma_start3A_441 = tpu.memref_slice %arg3[%shift_right_arithmetic3A_428, %and3A_430, %dma_start3A_440] : memref<12500x8x64xf32, #tpu.memory_space<hbm>> -> memref<1x1x64xf32, #tpu.memory_space<hbm>>
      %dma_start3A_442 = tpu.memref_squeeze %dma_start3A_441 : memref<1x1x64xf32, #tpu.memory_space<hbm>> -> memref<64xf32, #tpu.memory_space<hbm>>
      tpu.enqueue_dma source(%dma_start3A_442 : memref<64xf32, #tpu.memory_space<hbm>>) target(%dma_start3A_439 : memref<64xf32, #tpu.memory_space<vmem>>) target_semaphore(%arg14 : memref<!tpu.dma_semaphore, #tpu.memory_space<semaphore_mem>>)
      %eq3A_443 = arith.constant 9 : i32
      %eq3A_444 = vector.broadcast %eq3A_443 : i32 to vector<16xi32>
      %eq3A_445 = arith.cmpi eq, %iota3A, %eq3A_444 : vector<16xi32>
      %jit3A_446 = arith.constant 0 : i32
      %broadcast_in_dim3A_447 = vector.broadcast %jit3A_446 : i32 to vector<16xi32>
      %select_n3A_448 = arith.select %eq3A_445, %get3A_36, %broadcast_in_dim3A_447 : vector<16xi1>, vector<16xi32>
      %reduce_sum3A_449 = arith.constant true
      %reduce_sum3A_450 = vector.broadcast %reduce_sum3A_449 : i1 to vector<16xi1>
      %reduce_sum3A_451 = tpu.scan <sum>, %select_n3A_448 masked %reduce_sum3A_450 : vector<16xi32>, vector<16xi1> -> vector<16xi32>
      %reduce_sum3A_452 = vector.extract %reduce_sum3A_451[15] : i32 from vector<16xi32>
      %mul3A_453 = arith.constant 8 : i32
      %mul3A_454 = arith.muli %mul3A_453, %scan3A_33 : i32
      %add3A_455 = arith.constant 4 : i32
      %add3A_456 = arith.addi %mul3A_454, %add3A_455 : i32
      %shift_right_arithmetic3A_457 = arith.constant 3 : i32
      %shift_right_arithmetic3A_458 = arith.shrsi %reduce_sum3A_452, %shift_right_arithmetic3A_457 : i32
      %and3A_459 = arith.constant 7 : i32
      %and3A_460 = arith.andi %reduce_sum3A_452, %and3A_459 : i32
      %dma_start3A_461 = arith.constant 0 : i32
      %dma_start3A_462 = tpu.memref_slice %arg11[%add3A_456, %dma_start3A_461] : memref<128x64xf32, #tpu.memory_space<vmem>> -> memref<1x64xf32, #tpu.memory_space<vmem>>
      %dma_start3A_463 = tpu.memref_squeeze %dma_start3A_462 : memref<1x64xf32, #tpu.memory_space<vmem>> -> memref<64xf32, #tpu.memory_space<vmem>>
      %dma_start3A_464 = arith.constant 0 : i32
      %dma_start3A_465 = tpu.memref_slice %arg2[%shift_right_arithmetic3A_458, %and3A_460, %dma_start3A_464] : memref<12500x8x64xf32, #tpu.memory_space<hbm>> -> memref<1x1x64xf32, #tpu.memory_space<hbm>>
      %dma_start3A_466 = tpu.memref_squeeze %dma_start3A_465 : memref<1x1x64xf32, #tpu.memory_space<hbm>> -> memref<64xf32, #tpu.memory_space<hbm>>
      %dma_start3A_467 = arith.constant 0 : i32
      %dma_start3A_468 = tpu.memref_slice %arg11[%add3A_456, %dma_start3A_467] : memref<128x64xf32, #tpu.memory_space<vmem>> -> memref<1x64xf32, #tpu.memory_space<vmem>>
      %dma_start3A_469 = tpu.memref_squeeze %dma_start3A_468 : memref<1x64xf32, #tpu.memory_space<vmem>> -> memref<64xf32, #tpu.memory_space<vmem>>
      %dma_start3A_470 = arith.constant 0 : i32
      %dma_start3A_471 = tpu.memref_slice %arg2[%shift_right_arithmetic3A_458, %and3A_460, %dma_start3A_470] : memref<12500x8x64xf32, #tpu.memory_space<hbm>> -> memref<1x1x64xf32, #tpu.memory_space<hbm>>
      %dma_start3A_472 = tpu.memref_squeeze %dma_start3A_471 : memref<1x1x64xf32, #tpu.memory_space<hbm>> -> memref<64xf32, #tpu.memory_space<hbm>>
      tpu.enqueue_dma source(%dma_start3A_472 : memref<64xf32, #tpu.memory_space<hbm>>) target(%dma_start3A_469 : memref<64xf32, #tpu.memory_space<vmem>>) target_semaphore(%arg14 : memref<!tpu.dma_semaphore, #tpu.memory_space<semaphore_mem>>)
      %shift_right_arithmetic3A_473 = arith.constant 3 : i32
      %shift_right_arithmetic3A_474 = arith.shrsi %reduce_sum3A_452, %shift_right_arithmetic3A_473 : i32
      %and3A_475 = arith.constant 7 : i32
      %and3A_476 = arith.andi %reduce_sum3A_452, %and3A_475 : i32
      %dma_start3A_477 = arith.constant 0 : i32
      %dma_start3A_478 = tpu.memref_slice %arg13[%add3A_456, %dma_start3A_477] : memref<128x64xf32, #tpu.memory_space<vmem>> -> memref<1x64xf32, #tpu.memory_space<vmem>>
      %dma_start3A_479 = tpu.memref_squeeze %dma_start3A_478 : memref<1x64xf32, #tpu.memory_space<vmem>> -> memref<64xf32, #tpu.memory_space<vmem>>
      %dma_start3A_480 = arith.constant 0 : i32
      %dma_start3A_481 = tpu.memref_slice %arg3[%shift_right_arithmetic3A_474, %and3A_476, %dma_start3A_480] : memref<12500x8x64xf32, #tpu.memory_space<hbm>> -> memref<1x1x64xf32, #tpu.memory_space<hbm>>
      %dma_start3A_482 = tpu.memref_squeeze %dma_start3A_481 : memref<1x1x64xf32, #tpu.memory_space<hbm>> -> memref<64xf32, #tpu.memory_space<hbm>>
      %dma_start3A_483 = arith.constant 0 : i32
      %dma_start3A_484 = tpu.memref_slice %arg13[%add3A_456, %dma_start3A_483] : memref<128x64xf32, #tpu.memory_space<vmem>> -> memref<1x64xf32, #tpu.memory_space<vmem>>
      %dma_start3A_485 = tpu.memref_squeeze %dma_start3A_484 : memref<1x64xf32, #tpu.memory_space<vmem>> -> memref<64xf32, #tpu.memory_space<vmem>>
      %dma_start3A_486 = arith.constant 0 : i32
      %dma_start3A_487 = tpu.memref_slice %arg3[%shift_right_arithmetic3A_474, %and3A_476, %dma_start3A_486] : memref<12500x8x64xf32, #tpu.memory_space<hbm>> -> memref<1x1x64xf32, #tpu.memory_space<hbm>>
      %dma_start3A_488 = tpu.memref_squeeze %dma_start3A_487 : memref<1x1x64xf32, #tpu.memory_space<hbm>> -> memref<64xf32, #tpu.memory_space<hbm>>
      tpu.enqueue_dma source(%dma_start3A_488 : memref<64xf32, #tpu.memory_space<hbm>>) target(%dma_start3A_485 : memref<64xf32, #tpu.memory_space<vmem>>) target_semaphore(%arg14 : memref<!tpu.dma_semaphore, #tpu.memory_space<semaphore_mem>>)
      %eq3A_489 = arith.constant 10 : i32
      %eq3A_490 = vector.broadcast %eq3A_489 : i32 to vector<16xi32>
      %eq3A_491 = arith.cmpi eq, %iota3A, %eq3A_490 : vector<16xi32>
      %jit3A_492 = arith.constant 0 : i32
      %broadcast_in_dim3A_493 = vector.broadcast %jit3A_492 : i32 to vector<16xi32>
      %select_n3A_494 = arith.select %eq3A_491, %get3A_36, %broadcast_in_dim3A_493 : vector<16xi1>, vector<16xi32>
      %reduce_sum3A_495 = arith.constant true
      %reduce_sum3A_496 = vector.broadcast %reduce_sum3A_495 : i1 to vector<16xi1>
      %reduce_sum3A_497 = tpu.scan <sum>, %select_n3A_494 masked %reduce_sum3A_496 : vector<16xi32>, vector<16xi1> -> vector<16xi32>
      %reduce_sum3A_498 = vector.extract %reduce_sum3A_497[15] : i32 from vector<16xi32>
      %mul3A_499 = arith.constant 8 : i32
      %mul3A_500 = arith.muli %mul3A_499, %scan3A_33 : i32
      %add3A_501 = arith.constant 5 : i32
      %add3A_502 = arith.addi %mul3A_500, %add3A_501 : i32
      %shift_right_arithmetic3A_503 = arith.constant 3 : i32
      %shift_right_arithmetic3A_504 = arith.shrsi %reduce_sum3A_498, %shift_right_arithmetic3A_503 : i32
      %and3A_505 = arith.constant 7 : i32
      %and3A_506 = arith.andi %reduce_sum3A_498, %and3A_505 : i32
      %dma_start3A_507 = arith.constant 0 : i32
      %dma_start3A_508 = tpu.memref_slice %arg10[%add3A_502, %dma_start3A_507] : memref<128x64xf32, #tpu.memory_space<vmem>> -> memref<1x64xf32, #tpu.memory_space<vmem>>
      %dma_start3A_509 = tpu.memref_squeeze %dma_start3A_508 : memref<1x64xf32, #tpu.memory_space<vmem>> -> memref<64xf32, #tpu.memory_space<vmem>>
      %dma_start3A_510 = arith.constant 0 : i32
      %dma_start3A_511 = tpu.memref_slice %arg2[%shift_right_arithmetic3A_504, %and3A_506, %dma_start3A_510] : memref<12500x8x64xf32, #tpu.memory_space<hbm>> -> memref<1x1x64xf32, #tpu.memory_space<hbm>>
      %dma_start3A_512 = tpu.memref_squeeze %dma_start3A_511 : memref<1x1x64xf32, #tpu.memory_space<hbm>> -> memref<64xf32, #tpu.memory_space<hbm>>
      %dma_start3A_513 = arith.constant 0 : i32
      %dma_start3A_514 = tpu.memref_slice %arg10[%add3A_502, %dma_start3A_513] : memref<128x64xf32, #tpu.memory_space<vmem>> -> memref<1x64xf32, #tpu.memory_space<vmem>>
      %dma_start3A_515 = tpu.memref_squeeze %dma_start3A_514 : memref<1x64xf32, #tpu.memory_space<vmem>> -> memref<64xf32, #tpu.memory_space<vmem>>
      %dma_start3A_516 = arith.constant 0 : i32
      %dma_start3A_517 = tpu.memref_slice %arg2[%shift_right_arithmetic3A_504, %and3A_506, %dma_start3A_516] : memref<12500x8x64xf32, #tpu.memory_space<hbm>> -> memref<1x1x64xf32, #tpu.memory_space<hbm>>
      %dma_start3A_518 = tpu.memref_squeeze %dma_start3A_517 : memref<1x1x64xf32, #tpu.memory_space<hbm>> -> memref<64xf32, #tpu.memory_space<hbm>>
      tpu.enqueue_dma source(%dma_start3A_518 : memref<64xf32, #tpu.memory_space<hbm>>) target(%dma_start3A_515 : memref<64xf32, #tpu.memory_space<vmem>>) target_semaphore(%arg14 : memref<!tpu.dma_semaphore, #tpu.memory_space<semaphore_mem>>)
      %shift_right_arithmetic3A_519 = arith.constant 3 : i32
      %shift_right_arithmetic3A_520 = arith.shrsi %reduce_sum3A_498, %shift_right_arithmetic3A_519 : i32
      %and3A_521 = arith.constant 7 : i32
      %and3A_522 = arith.andi %reduce_sum3A_498, %and3A_521 : i32
      %dma_start3A_523 = arith.constant 0 : i32
      %dma_start3A_524 = tpu.memref_slice %arg12[%add3A_502, %dma_start3A_523] : memref<128x64xf32, #tpu.memory_space<vmem>> -> memref<1x64xf32, #tpu.memory_space<vmem>>
      %dma_start3A_525 = tpu.memref_squeeze %dma_start3A_524 : memref<1x64xf32, #tpu.memory_space<vmem>> -> memref<64xf32, #tpu.memory_space<vmem>>
      %dma_start3A_526 = arith.constant 0 : i32
      %dma_start3A_527 = tpu.memref_slice %arg3[%shift_right_arithmetic3A_520, %and3A_522, %dma_start3A_526] : memref<12500x8x64xf32, #tpu.memory_space<hbm>> -> memref<1x1x64xf32, #tpu.memory_space<hbm>>
      %dma_start3A_528 = tpu.memref_squeeze %dma_start3A_527 : memref<1x1x64xf32, #tpu.memory_space<hbm>> -> memref<64xf32, #tpu.memory_space<hbm>>
      %dma_start3A_529 = arith.constant 0 : i32
      %dma_start3A_530 = tpu.memref_slice %arg12[%add3A_502, %dma_start3A_529] : memref<128x64xf32, #tpu.memory_space<vmem>> -> memref<1x64xf32, #tpu.memory_space<vmem>>
      %dma_start3A_531 = tpu.memref_squeeze %dma_start3A_530 : memref<1x64xf32, #tpu.memory_space<vmem>> -> memref<64xf32, #tpu.memory_space<vmem>>
      %dma_start3A_532 = arith.constant 0 : i32
      %dma_start3A_533 = tpu.memref_slice %arg3[%shift_right_arithmetic3A_520, %and3A_522, %dma_start3A_532] : memref<12500x8x64xf32, #tpu.memory_space<hbm>> -> memref<1x1x64xf32, #tpu.memory_space<hbm>>
      %dma_start3A_534 = tpu.memref_squeeze %dma_start3A_533 : memref<1x1x64xf32, #tpu.memory_space<hbm>> -> memref<64xf32, #tpu.memory_space<hbm>>
      tpu.enqueue_dma source(%dma_start3A_534 : memref<64xf32, #tpu.memory_space<hbm>>) target(%dma_start3A_531 : memref<64xf32, #tpu.memory_space<vmem>>) target_semaphore(%arg14 : memref<!tpu.dma_semaphore, #tpu.memory_space<semaphore_mem>>)
      %eq3A_535 = arith.constant 11 : i32
      %eq3A_536 = vector.broadcast %eq3A_535 : i32 to vector<16xi32>
      %eq3A_537 = arith.cmpi eq, %iota3A, %eq3A_536 : vector<16xi32>
      %jit3A_538 = arith.constant 0 : i32
      %broadcast_in_dim3A_539 = vector.broadcast %jit3A_538 : i32 to vector<16xi32>
      %select_n3A_540 = arith.select %eq3A_537, %get3A_36, %broadcast_in_dim3A_539 : vector<16xi1>, vector<16xi32>
      %reduce_sum3A_541 = arith.constant true
      %reduce_sum3A_542 = vector.broadcast %reduce_sum3A_541 : i1 to vector<16xi1>
      %reduce_sum3A_543 = tpu.scan <sum>, %select_n3A_540 masked %reduce_sum3A_542 : vector<16xi32>, vector<16xi1> -> vector<16xi32>
      %reduce_sum3A_544 = vector.extract %reduce_sum3A_543[15] : i32 from vector<16xi32>
      %mul3A_545 = arith.constant 8 : i32
      %mul3A_546 = arith.muli %mul3A_545, %scan3A_33 : i32
      %add3A_547 = arith.constant 5 : i32
      %add3A_548 = arith.addi %mul3A_546, %add3A_547 : i32
      %shift_right_arithmetic3A_549 = arith.constant 3 : i32
      %shift_right_arithmetic3A_550 = arith.shrsi %reduce_sum3A_544, %shift_right_arithmetic3A_549 : i32
      %and3A_551 = arith.constant 7 : i32
      %and3A_552 = arith.andi %reduce_sum3A_544, %and3A_551 : i32
      %dma_start3A_553 = arith.constant 0 : i32
      %dma_start3A_554 = tpu.memref_slice %arg11[%add3A_548, %dma_start3A_553] : memref<128x64xf32, #tpu.memory_space<vmem>> -> memref<1x64xf32, #tpu.memory_space<vmem>>
      %dma_start3A_555 = tpu.memref_squeeze %dma_start3A_554 : memref<1x64xf32, #tpu.memory_space<vmem>> -> memref<64xf32, #tpu.memory_space<vmem>>
      %dma_start3A_556 = arith.constant 0 : i32
      %dma_start3A_557 = tpu.memref_slice %arg2[%shift_right_arithmetic3A_550, %and3A_552, %dma_start3A_556] : memref<12500x8x64xf32, #tpu.memory_space<hbm>> -> memref<1x1x64xf32, #tpu.memory_space<hbm>>
      %dma_start3A_558 = tpu.memref_squeeze %dma_start3A_557 : memref<1x1x64xf32, #tpu.memory_space<hbm>> -> memref<64xf32, #tpu.memory_space<hbm>>
      %dma_start3A_559 = arith.constant 0 : i32
      %dma_start3A_560 = tpu.memref_slice %arg11[%add3A_548, %dma_start3A_559] : memref<128x64xf32, #tpu.memory_space<vmem>> -> memref<1x64xf32, #tpu.memory_space<vmem>>
      %dma_start3A_561 = tpu.memref_squeeze %dma_start3A_560 : memref<1x64xf32, #tpu.memory_space<vmem>> -> memref<64xf32, #tpu.memory_space<vmem>>
      %dma_start3A_562 = arith.constant 0 : i32
      %dma_start3A_563 = tpu.memref_slice %arg2[%shift_right_arithmetic3A_550, %and3A_552, %dma_start3A_562] : memref<12500x8x64xf32, #tpu.memory_space<hbm>> -> memref<1x1x64xf32, #tpu.memory_space<hbm>>
      %dma_start3A_564 = tpu.memref_squeeze %dma_start3A_563 : memref<1x1x64xf32, #tpu.memory_space<hbm>> -> memref<64xf32, #tpu.memory_space<hbm>>
      tpu.enqueue_dma source(%dma_start3A_564 : memref<64xf32, #tpu.memory_space<hbm>>) target(%dma_start3A_561 : memref<64xf32, #tpu.memory_space<vmem>>) target_semaphore(%arg14 : memref<!tpu.dma_semaphore, #tpu.memory_space<semaphore_mem>>)
      %shift_right_arithmetic3A_565 = arith.constant 3 : i32
      %shift_right_arithmetic3A_566 = arith.shrsi %reduce_sum3A_544, %shift_right_arithmetic3A_565 : i32
      %and3A_567 = arith.constant 7 : i32
      %and3A_568 = arith.andi %reduce_sum3A_544, %and3A_567 : i32
      %dma_start3A_569 = arith.constant 0 : i32
      %dma_start3A_570 = tpu.memref_slice %arg13[%add3A_548, %dma_start3A_569] : memref<128x64xf32, #tpu.memory_space<vmem>> -> memref<1x64xf32, #tpu.memory_space<vmem>>
      %dma_start3A_571 = tpu.memref_squeeze %dma_start3A_570 : memref<1x64xf32, #tpu.memory_space<vmem>> -> memref<64xf32, #tpu.memory_space<vmem>>
      %dma_start3A_572 = arith.constant 0 : i32
      %dma_start3A_573 = tpu.memref_slice %arg3[%shift_right_arithmetic3A_566, %and3A_568, %dma_start3A_572] : memref<12500x8x64xf32, #tpu.memory_space<hbm>> -> memref<1x1x64xf32, #tpu.memory_space<hbm>>
      %dma_start3A_574 = tpu.memref_squeeze %dma_start3A_573 : memref<1x1x64xf32, #tpu.memory_space<hbm>> -> memref<64xf32, #tpu.memory_space<hbm>>
      %dma_start3A_575 = arith.constant 0 : i32
      %dma_start3A_576 = tpu.memref_slice %arg13[%add3A_548, %dma_start3A_575] : memref<128x64xf32, #tpu.memory_space<vmem>> -> memref<1x64xf32, #tpu.memory_space<vmem>>
      %dma_start3A_577 = tpu.memref_squeeze %dma_start3A_576 : memref<1x64xf32, #tpu.memory_space<vmem>> -> memref<64xf32, #tpu.memory_space<vmem>>
      %dma_start3A_578 = arith.constant 0 : i32
      %dma_start3A_579 = tpu.memref_slice %arg3[%shift_right_arithmetic3A_566, %and3A_568, %dma_start3A_578] : memref<12500x8x64xf32, #tpu.memory_space<hbm>> -> memref<1x1x64xf32, #tpu.memory_space<hbm>>
      %dma_start3A_580 = tpu.memref_squeeze %dma_start3A_579 : memref<1x1x64xf32, #tpu.memory_space<hbm>> -> memref<64xf32, #tpu.memory_space<hbm>>
      tpu.enqueue_dma source(%dma_start3A_580 : memref<64xf32, #tpu.memory_space<hbm>>) target(%dma_start3A_577 : memref<64xf32, #tpu.memory_space<vmem>>) target_semaphore(%arg14 : memref<!tpu.dma_semaphore, #tpu.memory_space<semaphore_mem>>)
      %eq3A_581 = arith.constant 12 : i32
      %eq3A_582 = vector.broadcast %eq3A_581 : i32 to vector<16xi32>
      %eq3A_583 = arith.cmpi eq, %iota3A, %eq3A_582 : vector<16xi32>
      %jit3A_584 = arith.constant 0 : i32
      %broadcast_in_dim3A_585 = vector.broadcast %jit3A_584 : i32 to vector<16xi32>
      %select_n3A_586 = arith.select %eq3A_583, %get3A_36, %broadcast_in_dim3A_585 : vector<16xi1>, vector<16xi32>
      %reduce_sum3A_587 = arith.constant true
      %reduce_sum3A_588 = vector.broadcast %reduce_sum3A_587 : i1 to vector<16xi1>
      %reduce_sum3A_589 = tpu.scan <sum>, %select_n3A_586 masked %reduce_sum3A_588 : vector<16xi32>, vector<16xi1> -> vector<16xi32>
      %reduce_sum3A_590 = vector.extract %reduce_sum3A_589[15] : i32 from vector<16xi32>
      %mul3A_591 = arith.constant 8 : i32
      %mul3A_592 = arith.muli %mul3A_591, %scan3A_33 : i32
      %add3A_593 = arith.constant 6 : i32
      %add3A_594 = arith.addi %mul3A_592, %add3A_593 : i32
      %shift_right_arithmetic3A_595 = arith.constant 3 : i32
      %shift_right_arithmetic3A_596 = arith.shrsi %reduce_sum3A_590, %shift_right_arithmetic3A_595 : i32
      %and3A_597 = arith.constant 7 : i32
      %and3A_598 = arith.andi %reduce_sum3A_590, %and3A_597 : i32
      %dma_start3A_599 = arith.constant 0 : i32
      %dma_start3A_600 = tpu.memref_slice %arg10[%add3A_594, %dma_start3A_599] : memref<128x64xf32, #tpu.memory_space<vmem>> -> memref<1x64xf32, #tpu.memory_space<vmem>>
      %dma_start3A_601 = tpu.memref_squeeze %dma_start3A_600 : memref<1x64xf32, #tpu.memory_space<vmem>> -> memref<64xf32, #tpu.memory_space<vmem>>
      %dma_start3A_602 = arith.constant 0 : i32
      %dma_start3A_603 = tpu.memref_slice %arg2[%shift_right_arithmetic3A_596, %and3A_598, %dma_start3A_602] : memref<12500x8x64xf32, #tpu.memory_space<hbm>> -> memref<1x1x64xf32, #tpu.memory_space<hbm>>
      %dma_start3A_604 = tpu.memref_squeeze %dma_start3A_603 : memref<1x1x64xf32, #tpu.memory_space<hbm>> -> memref<64xf32, #tpu.memory_space<hbm>>
      %dma_start3A_605 = arith.constant 0 : i32
      %dma_start3A_606 = tpu.memref_slice %arg10[%add3A_594, %dma_start3A_605] : memref<128x64xf32, #tpu.memory_space<vmem>> -> memref<1x64xf32, #tpu.memory_space<vmem>>
      %dma_start3A_607 = tpu.memref_squeeze %dma_start3A_606 : memref<1x64xf32, #tpu.memory_space<vmem>> -> memref<64xf32, #tpu.memory_space<vmem>>
      %dma_start3A_608 = arith.constant 0 : i32
      %dma_start3A_609 = tpu.memref_slice %arg2[%shift_right_arithmetic3A_596, %and3A_598, %dma_start3A_608] : memref<12500x8x64xf32, #tpu.memory_space<hbm>> -> memref<1x1x64xf32, #tpu.memory_space<hbm>>
      %dma_start3A_610 = tpu.memref_squeeze %dma_start3A_609 : memref<1x1x64xf32, #tpu.memory_space<hbm>> -> memref<64xf32, #tpu.memory_space<hbm>>
      tpu.enqueue_dma source(%dma_start3A_610 : memref<64xf32, #tpu.memory_space<hbm>>) target(%dma_start3A_607 : memref<64xf32, #tpu.memory_space<vmem>>) target_semaphore(%arg14 : memref<!tpu.dma_semaphore, #tpu.memory_space<semaphore_mem>>)
      %shift_right_arithmetic3A_611 = arith.constant 3 : i32
      %shift_right_arithmetic3A_612 = arith.shrsi %reduce_sum3A_590, %shift_right_arithmetic3A_611 : i32
      %and3A_613 = arith.constant 7 : i32
      %and3A_614 = arith.andi %reduce_sum3A_590, %and3A_613 : i32
      %dma_start3A_615 = arith.constant 0 : i32
      %dma_start3A_616 = tpu.memref_slice %arg12[%add3A_594, %dma_start3A_615] : memref<128x64xf32, #tpu.memory_space<vmem>> -> memref<1x64xf32, #tpu.memory_space<vmem>>
      %dma_start3A_617 = tpu.memref_squeeze %dma_start3A_616 : memref<1x64xf32, #tpu.memory_space<vmem>> -> memref<64xf32, #tpu.memory_space<vmem>>
      %dma_start3A_618 = arith.constant 0 : i32
      %dma_start3A_619 = tpu.memref_slice %arg3[%shift_right_arithmetic3A_612, %and3A_614, %dma_start3A_618] : memref<12500x8x64xf32, #tpu.memory_space<hbm>> -> memref<1x1x64xf32, #tpu.memory_space<hbm>>
      %dma_start3A_620 = tpu.memref_squeeze %dma_start3A_619 : memref<1x1x64xf32, #tpu.memory_space<hbm>> -> memref<64xf32, #tpu.memory_space<hbm>>
      %dma_start3A_621 = arith.constant 0 : i32
      %dma_start3A_622 = tpu.memref_slice %arg12[%add3A_594, %dma_start3A_621] : memref<128x64xf32, #tpu.memory_space<vmem>> -> memref<1x64xf32, #tpu.memory_space<vmem>>
      %dma_start3A_623 = tpu.memref_squeeze %dma_start3A_622 : memref<1x64xf32, #tpu.memory_space<vmem>> -> memref<64xf32, #tpu.memory_space<vmem>>
      %dma_start3A_624 = arith.constant 0 : i32
      %dma_start3A_625 = tpu.memref_slice %arg3[%shift_right_arithmetic3A_612, %and3A_614, %dma_start3A_624] : memref<12500x8x64xf32, #tpu.memory_space<hbm>> -> memref<1x1x64xf32, #tpu.memory_space<hbm>>
      %dma_start3A_626 = tpu.memref_squeeze %dma_start3A_625 : memref<1x1x64xf32, #tpu.memory_space<hbm>> -> memref<64xf32, #tpu.memory_space<hbm>>
      tpu.enqueue_dma source(%dma_start3A_626 : memref<64xf32, #tpu.memory_space<hbm>>) target(%dma_start3A_623 : memref<64xf32, #tpu.memory_space<vmem>>) target_semaphore(%arg14 : memref<!tpu.dma_semaphore, #tpu.memory_space<semaphore_mem>>)
      %eq3A_627 = arith.constant 13 : i32
      %eq3A_628 = vector.broadcast %eq3A_627 : i32 to vector<16xi32>
      %eq3A_629 = arith.cmpi eq, %iota3A, %eq3A_628 : vector<16xi32>
      %jit3A_630 = arith.constant 0 : i32
      %broadcast_in_dim3A_631 = vector.broadcast %jit3A_630 : i32 to vector<16xi32>
      %select_n3A_632 = arith.select %eq3A_629, %get3A_36, %broadcast_in_dim3A_631 : vector<16xi1>, vector<16xi32>
      %reduce_sum3A_633 = arith.constant true
      %reduce_sum3A_634 = vector.broadcast %reduce_sum3A_633 : i1 to vector<16xi1>
      %reduce_sum3A_635 = tpu.scan <sum>, %select_n3A_632 masked %reduce_sum3A_634 : vector<16xi32>, vector<16xi1> -> vector<16xi32>
      %reduce_sum3A_636 = vector.extract %reduce_sum3A_635[15] : i32 from vector<16xi32>
      %mul3A_637 = arith.constant 8 : i32
      %mul3A_638 = arith.muli %mul3A_637, %scan3A_33 : i32
      %add3A_639 = arith.constant 6 : i32
      %add3A_640 = arith.addi %mul3A_638, %add3A_639 : i32
      %shift_right_arithmetic3A_641 = arith.constant 3 : i32
      %shift_right_arithmetic3A_642 = arith.shrsi %reduce_sum3A_636, %shift_right_arithmetic3A_641 : i32
      %and3A_643 = arith.constant 7 : i32
      %and3A_644 = arith.andi %reduce_sum3A_636, %and3A_643 : i32
      %dma_start3A_645 = arith.constant 0 : i32
      %dma_start3A_646 = tpu.memref_slice %arg11[%add3A_640, %dma_start3A_645] : memref<128x64xf32, #tpu.memory_space<vmem>> -> memref<1x64xf32, #tpu.memory_space<vmem>>
      %dma_start3A_647 = tpu.memref_squeeze %dma_start3A_646 : memref<1x64xf32, #tpu.memory_space<vmem>> -> memref<64xf32, #tpu.memory_space<vmem>>
      %dma_start3A_648 = arith.constant 0 : i32
      %dma_start3A_649 = tpu.memref_slice %arg2[%shift_right_arithmetic3A_642, %and3A_644, %dma_start3A_648] : memref<12500x8x64xf32, #tpu.memory_space<hbm>> -> memref<1x1x64xf32, #tpu.memory_space<hbm>>
      %dma_start3A_650 = tpu.memref_squeeze %dma_start3A_649 : memref<1x1x64xf32, #tpu.memory_space<hbm>> -> memref<64xf32, #tpu.memory_space<hbm>>
      %dma_start3A_651 = arith.constant 0 : i32
      %dma_start3A_652 = tpu.memref_slice %arg11[%add3A_640, %dma_start3A_651] : memref<128x64xf32, #tpu.memory_space<vmem>> -> memref<1x64xf32, #tpu.memory_space<vmem>>
      %dma_start3A_653 = tpu.memref_squeeze %dma_start3A_652 : memref<1x64xf32, #tpu.memory_space<vmem>> -> memref<64xf32, #tpu.memory_space<vmem>>
      %dma_start3A_654 = arith.constant 0 : i32
      %dma_start3A_655 = tpu.memref_slice %arg2[%shift_right_arithmetic3A_642, %and3A_644, %dma_start3A_654] : memref<12500x8x64xf32, #tpu.memory_space<hbm>> -> memref<1x1x64xf32, #tpu.memory_space<hbm>>
      %dma_start3A_656 = tpu.memref_squeeze %dma_start3A_655 : memref<1x1x64xf32, #tpu.memory_space<hbm>> -> memref<64xf32, #tpu.memory_space<hbm>>
      tpu.enqueue_dma source(%dma_start3A_656 : memref<64xf32, #tpu.memory_space<hbm>>) target(%dma_start3A_653 : memref<64xf32, #tpu.memory_space<vmem>>) target_semaphore(%arg14 : memref<!tpu.dma_semaphore, #tpu.memory_space<semaphore_mem>>)
      %shift_right_arithmetic3A_657 = arith.constant 3 : i32
      %shift_right_arithmetic3A_658 = arith.shrsi %reduce_sum3A_636, %shift_right_arithmetic3A_657 : i32
      %and3A_659 = arith.constant 7 : i32
      %and3A_660 = arith.andi %reduce_sum3A_636, %and3A_659 : i32
      %dma_start3A_661 = arith.constant 0 : i32
      %dma_start3A_662 = tpu.memref_slice %arg13[%add3A_640, %dma_start3A_661] : memref<128x64xf32, #tpu.memory_space<vmem>> -> memref<1x64xf32, #tpu.memory_space<vmem>>
      %dma_start3A_663 = tpu.memref_squeeze %dma_start3A_662 : memref<1x64xf32, #tpu.memory_space<vmem>> -> memref<64xf32, #tpu.memory_space<vmem>>
      %dma_start3A_664 = arith.constant 0 : i32
      %dma_start3A_665 = tpu.memref_slice %arg3[%shift_right_arithmetic3A_658, %and3A_660, %dma_start3A_664] : memref<12500x8x64xf32, #tpu.memory_space<hbm>> -> memref<1x1x64xf32, #tpu.memory_space<hbm>>
      %dma_start3A_666 = tpu.memref_squeeze %dma_start3A_665 : memref<1x1x64xf32, #tpu.memory_space<hbm>> -> memref<64xf32, #tpu.memory_space<hbm>>
      %dma_start3A_667 = arith.constant 0 : i32
      %dma_start3A_668 = tpu.memref_slice %arg13[%add3A_640, %dma_start3A_667] : memref<128x64xf32, #tpu.memory_space<vmem>> -> memref<1x64xf32, #tpu.memory_space<vmem>>
      %dma_start3A_669 = tpu.memref_squeeze %dma_start3A_668 : memref<1x64xf32, #tpu.memory_space<vmem>> -> memref<64xf32, #tpu.memory_space<vmem>>
      %dma_start3A_670 = arith.constant 0 : i32
      %dma_start3A_671 = tpu.memref_slice %arg3[%shift_right_arithmetic3A_658, %and3A_660, %dma_start3A_670] : memref<12500x8x64xf32, #tpu.memory_space<hbm>> -> memref<1x1x64xf32, #tpu.memory_space<hbm>>
      %dma_start3A_672 = tpu.memref_squeeze %dma_start3A_671 : memref<1x1x64xf32, #tpu.memory_space<hbm>> -> memref<64xf32, #tpu.memory_space<hbm>>
      tpu.enqueue_dma source(%dma_start3A_672 : memref<64xf32, #tpu.memory_space<hbm>>) target(%dma_start3A_669 : memref<64xf32, #tpu.memory_space<vmem>>) target_semaphore(%arg14 : memref<!tpu.dma_semaphore, #tpu.memory_space<semaphore_mem>>)
      %eq3A_673 = arith.constant 14 : i32
      %eq3A_674 = vector.broadcast %eq3A_673 : i32 to vector<16xi32>
      %eq3A_675 = arith.cmpi eq, %iota3A, %eq3A_674 : vector<16xi32>
      %jit3A_676 = arith.constant 0 : i32
      %broadcast_in_dim3A_677 = vector.broadcast %jit3A_676 : i32 to vector<16xi32>
      %select_n3A_678 = arith.select %eq3A_675, %get3A_36, %broadcast_in_dim3A_677 : vector<16xi1>, vector<16xi32>
      %reduce_sum3A_679 = arith.constant true
      %reduce_sum3A_680 = vector.broadcast %reduce_sum3A_679 : i1 to vector<16xi1>
      %reduce_sum3A_681 = tpu.scan <sum>, %select_n3A_678 masked %reduce_sum3A_680 : vector<16xi32>, vector<16xi1> -> vector<16xi32>
      %reduce_sum3A_682 = vector.extract %reduce_sum3A_681[15] : i32 from vector<16xi32>
      %mul3A_683 = arith.constant 8 : i32
      %mul3A_684 = arith.muli %mul3A_683, %scan3A_33 : i32
      %add3A_685 = arith.constant 7 : i32
      %add3A_686 = arith.addi %mul3A_684, %add3A_685 : i32
      %shift_right_arithmetic3A_687 = arith.constant 3 : i32
      %shift_right_arithmetic3A_688 = arith.shrsi %reduce_sum3A_682, %shift_right_arithmetic3A_687 : i32
      %and3A_689 = arith.constant 7 : i32
      %and3A_690 = arith.andi %reduce_sum3A_682, %and3A_689 : i32
      %dma_start3A_691 = arith.constant 0 : i32
      %dma_start3A_692 = tpu.memref_slice %arg10[%add3A_686, %dma_start3A_691] : memref<128x64xf32, #tpu.memory_space<vmem>> -> memref<1x64xf32, #tpu.memory_space<vmem>>
      %dma_start3A_693 = tpu.memref_squeeze %dma_start3A_692 : memref<1x64xf32, #tpu.memory_space<vmem>> -> memref<64xf32, #tpu.memory_space<vmem>>
      %dma_start3A_694 = arith.constant 0 : i32
      %dma_start3A_695 = tpu.memref_slice %arg2[%shift_right_arithmetic3A_688, %and3A_690, %dma_start3A_694] : memref<12500x8x64xf32, #tpu.memory_space<hbm>> -> memref<1x1x64xf32, #tpu.memory_space<hbm>>
      %dma_start3A_696 = tpu.memref_squeeze %dma_start3A_695 : memref<1x1x64xf32, #tpu.memory_space<hbm>> -> memref<64xf32, #tpu.memory_space<hbm>>
      %dma_start3A_697 = arith.constant 0 : i32
      %dma_start3A_698 = tpu.memref_slice %arg10[%add3A_686, %dma_start3A_697] : memref<128x64xf32, #tpu.memory_space<vmem>> -> memref<1x64xf32, #tpu.memory_space<vmem>>
      %dma_start3A_699 = tpu.memref_squeeze %dma_start3A_698 : memref<1x64xf32, #tpu.memory_space<vmem>> -> memref<64xf32, #tpu.memory_space<vmem>>
      %dma_start3A_700 = arith.constant 0 : i32
      %dma_start3A_701 = tpu.memref_slice %arg2[%shift_right_arithmetic3A_688, %and3A_690, %dma_start3A_700] : memref<12500x8x64xf32, #tpu.memory_space<hbm>> -> memref<1x1x64xf32, #tpu.memory_space<hbm>>
      %dma_start3A_702 = tpu.memref_squeeze %dma_start3A_701 : memref<1x1x64xf32, #tpu.memory_space<hbm>> -> memref<64xf32, #tpu.memory_space<hbm>>
      tpu.enqueue_dma source(%dma_start3A_702 : memref<64xf32, #tpu.memory_space<hbm>>) target(%dma_start3A_699 : memref<64xf32, #tpu.memory_space<vmem>>) target_semaphore(%arg14 : memref<!tpu.dma_semaphore, #tpu.memory_space<semaphore_mem>>)
      %shift_right_arithmetic3A_703 = arith.constant 3 : i32
      %shift_right_arithmetic3A_704 = arith.shrsi %reduce_sum3A_682, %shift_right_arithmetic3A_703 : i32
      %and3A_705 = arith.constant 7 : i32
      %and3A_706 = arith.andi %reduce_sum3A_682, %and3A_705 : i32
      %dma_start3A_707 = arith.constant 0 : i32
      %dma_start3A_708 = tpu.memref_slice %arg12[%add3A_686, %dma_start3A_707] : memref<128x64xf32, #tpu.memory_space<vmem>> -> memref<1x64xf32, #tpu.memory_space<vmem>>
      %dma_start3A_709 = tpu.memref_squeeze %dma_start3A_708 : memref<1x64xf32, #tpu.memory_space<vmem>> -> memref<64xf32, #tpu.memory_space<vmem>>
      %dma_start3A_710 = arith.constant 0 : i32
      %dma_start3A_711 = tpu.memref_slice %arg3[%shift_right_arithmetic3A_704, %and3A_706, %dma_start3A_710] : memref<12500x8x64xf32, #tpu.memory_space<hbm>> -> memref<1x1x64xf32, #tpu.memory_space<hbm>>
      %dma_start3A_712 = tpu.memref_squeeze %dma_start3A_711 : memref<1x1x64xf32, #tpu.memory_space<hbm>> -> memref<64xf32, #tpu.memory_space<hbm>>
      %dma_start3A_713 = arith.constant 0 : i32
      %dma_start3A_714 = tpu.memref_slice %arg12[%add3A_686, %dma_start3A_713] : memref<128x64xf32, #tpu.memory_space<vmem>> -> memref<1x64xf32, #tpu.memory_space<vmem>>
      %dma_start3A_715 = tpu.memref_squeeze %dma_start3A_714 : memref<1x64xf32, #tpu.memory_space<vmem>> -> memref<64xf32, #tpu.memory_space<vmem>>
      %dma_start3A_716 = arith.constant 0 : i32
      %dma_start3A_717 = tpu.memref_slice %arg3[%shift_right_arithmetic3A_704, %and3A_706, %dma_start3A_716] : memref<12500x8x64xf32, #tpu.memory_space<hbm>> -> memref<1x1x64xf32, #tpu.memory_space<hbm>>
      %dma_start3A_718 = tpu.memref_squeeze %dma_start3A_717 : memref<1x1x64xf32, #tpu.memory_space<hbm>> -> memref<64xf32, #tpu.memory_space<hbm>>
      tpu.enqueue_dma source(%dma_start3A_718 : memref<64xf32, #tpu.memory_space<hbm>>) target(%dma_start3A_715 : memref<64xf32, #tpu.memory_space<vmem>>) target_semaphore(%arg14 : memref<!tpu.dma_semaphore, #tpu.memory_space<semaphore_mem>>)
      %eq3A_719 = arith.constant 15 : i32
      %eq3A_720 = vector.broadcast %eq3A_719 : i32 to vector<16xi32>
      %eq3A_721 = arith.cmpi eq, %iota3A, %eq3A_720 : vector<16xi32>
      %jit3A_722 = arith.constant 0 : i32
      %broadcast_in_dim3A_723 = vector.broadcast %jit3A_722 : i32 to vector<16xi32>
      %select_n3A_724 = arith.select %eq3A_721, %get3A_36, %broadcast_in_dim3A_723 : vector<16xi1>, vector<16xi32>
      %reduce_sum3A_725 = arith.constant true
      %reduce_sum3A_726 = vector.broadcast %reduce_sum3A_725 : i1 to vector<16xi1>
      %reduce_sum3A_727 = tpu.scan <sum>, %select_n3A_724 masked %reduce_sum3A_726 : vector<16xi32>, vector<16xi1> -> vector<16xi32>
      %reduce_sum3A_728 = vector.extract %reduce_sum3A_727[15] : i32 from vector<16xi32>
      %mul3A_729 = arith.constant 8 : i32
      %mul3A_730 = arith.muli %mul3A_729, %scan3A_33 : i32
      %add3A_731 = arith.constant 7 : i32
      %add3A_732 = arith.addi %mul3A_730, %add3A_731 : i32
      %shift_right_arithmetic3A_733 = arith.constant 3 : i32
      %shift_right_arithmetic3A_734 = arith.shrsi %reduce_sum3A_728, %shift_right_arithmetic3A_733 : i32
      %and3A_735 = arith.constant 7 : i32
      %and3A_736 = arith.andi %reduce_sum3A_728, %and3A_735 : i32
      %dma_start3A_737 = arith.constant 0 : i32
      %dma_start3A_738 = tpu.memref_slice %arg11[%add3A_732, %dma_start3A_737] : memref<128x64xf32, #tpu.memory_space<vmem>> -> memref<1x64xf32, #tpu.memory_space<vmem>>
      %dma_start3A_739 = tpu.memref_squeeze %dma_start3A_738 : memref<1x64xf32, #tpu.memory_space<vmem>> -> memref<64xf32, #tpu.memory_space<vmem>>
      %dma_start3A_740 = arith.constant 0 : i32
      %dma_start3A_741 = tpu.memref_slice %arg2[%shift_right_arithmetic3A_734, %and3A_736, %dma_start3A_740] : memref<12500x8x64xf32, #tpu.memory_space<hbm>> -> memref<1x1x64xf32, #tpu.memory_space<hbm>>
      %dma_start3A_742 = tpu.memref_squeeze %dma_start3A_741 : memref<1x1x64xf32, #tpu.memory_space<hbm>> -> memref<64xf32, #tpu.memory_space<hbm>>
      %dma_start3A_743 = arith.constant 0 : i32
      %dma_start3A_744 = tpu.memref_slice %arg11[%add3A_732, %dma_start3A_743] : memref<128x64xf32, #tpu.memory_space<vmem>> -> memref<1x64xf32, #tpu.memory_space<vmem>>
      %dma_start3A_745 = tpu.memref_squeeze %dma_start3A_744 : memref<1x64xf32, #tpu.memory_space<vmem>> -> memref<64xf32, #tpu.memory_space<vmem>>
      %dma_start3A_746 = arith.constant 0 : i32
      %dma_start3A_747 = tpu.memref_slice %arg2[%shift_right_arithmetic3A_734, %and3A_736, %dma_start3A_746] : memref<12500x8x64xf32, #tpu.memory_space<hbm>> -> memref<1x1x64xf32, #tpu.memory_space<hbm>>
      %dma_start3A_748 = tpu.memref_squeeze %dma_start3A_747 : memref<1x1x64xf32, #tpu.memory_space<hbm>> -> memref<64xf32, #tpu.memory_space<hbm>>
      tpu.enqueue_dma source(%dma_start3A_748 : memref<64xf32, #tpu.memory_space<hbm>>) target(%dma_start3A_745 : memref<64xf32, #tpu.memory_space<vmem>>) target_semaphore(%arg14 : memref<!tpu.dma_semaphore, #tpu.memory_space<semaphore_mem>>)
      %shift_right_arithmetic3A_749 = arith.constant 3 : i32
      %shift_right_arithmetic3A_750 = arith.shrsi %reduce_sum3A_728, %shift_right_arithmetic3A_749 : i32
      %and3A_751 = arith.constant 7 : i32
      %and3A_752 = arith.andi %reduce_sum3A_728, %and3A_751 : i32
      %dma_start3A_753 = arith.constant 0 : i32
      %dma_start3A_754 = tpu.memref_slice %arg13[%add3A_732, %dma_start3A_753] : memref<128x64xf32, #tpu.memory_space<vmem>> -> memref<1x64xf32, #tpu.memory_space<vmem>>
      %dma_start3A_755 = tpu.memref_squeeze %dma_start3A_754 : memref<1x64xf32, #tpu.memory_space<vmem>> -> memref<64xf32, #tpu.memory_space<vmem>>
      %dma_start3A_756 = arith.constant 0 : i32
      %dma_start3A_757 = tpu.memref_slice %arg3[%shift_right_arithmetic3A_750, %and3A_752, %dma_start3A_756] : memref<12500x8x64xf32, #tpu.memory_space<hbm>> -> memref<1x1x64xf32, #tpu.memory_space<hbm>>
      %dma_start3A_758 = tpu.memref_squeeze %dma_start3A_757 : memref<1x1x64xf32, #tpu.memory_space<hbm>> -> memref<64xf32, #tpu.memory_space<hbm>>
      %dma_start3A_759 = arith.constant 0 : i32
      %dma_start3A_760 = tpu.memref_slice %arg13[%add3A_732, %dma_start3A_759] : memref<128x64xf32, #tpu.memory_space<vmem>> -> memref<1x64xf32, #tpu.memory_space<vmem>>
      %dma_start3A_761 = tpu.memref_squeeze %dma_start3A_760 : memref<1x64xf32, #tpu.memory_space<vmem>> -> memref<64xf32, #tpu.memory_space<vmem>>
      %dma_start3A_762 = arith.constant 0 : i32
      %dma_start3A_763 = tpu.memref_slice %arg3[%shift_right_arithmetic3A_750, %and3A_752, %dma_start3A_762] : memref<12500x8x64xf32, #tpu.memory_space<hbm>> -> memref<1x1x64xf32, #tpu.memory_space<hbm>>
      %dma_start3A_764 = tpu.memref_squeeze %dma_start3A_763 : memref<1x1x64xf32, #tpu.memory_space<hbm>> -> memref<64xf32, #tpu.memory_space<hbm>>
      tpu.enqueue_dma source(%dma_start3A_764 : memref<64xf32, #tpu.memory_space<hbm>>) target(%dma_start3A_761 : memref<64xf32, #tpu.memory_space<vmem>>) target_semaphore(%arg14 : memref<!tpu.dma_semaphore, #tpu.memory_space<semaphore_mem>>)
    }
    %scan3A_9 = arith.constant 16 : i32
    %dma_wait3A = arith.constant 0 : i32
    %dma_wait3A_10 = arith.constant 0 : i32
    %dma_wait3A_11 = tpu.memref_slice %arg5[%dma_wait3A, %dma_wait3A_10] : memref<4096x64xf32, #tpu.memory_space<hbm>> -> memref<128x64xf32, #tpu.memory_space<hbm>>
    %dma_wait3A_12 = arith.constant 0 : i32
    %dma_wait3A_13 = arith.constant 0 : i32
    %dma_wait3A_14 = tpu.memref_slice %arg5[%dma_wait3A_12, %dma_wait3A_13] : memref<4096x64xf32, #tpu.memory_space<hbm>> -> memref<128x64xf32, #tpu.memory_space<hbm>>
    tpu.wait_dma2 semaphore(%arg14 : memref<!tpu.dma_semaphore, #tpu.memory_space<semaphore_mem>>) src(%dma_wait3A_14 : memref<128x64xf32, #tpu.memory_space<hbm>>) dst(%arg10 : memref<128x64xf32, #tpu.memory_space<vmem>>)
    %dma_wait3A_15 = arith.constant 0 : i32
    %dma_wait3A_16 = arith.constant 0 : i32
    %dma_wait3A_17 = tpu.memref_slice %arg5[%dma_wait3A_15, %dma_wait3A_16] : memref<4096x64xf32, #tpu.memory_space<hbm>> -> memref<128x64xf32, #tpu.memory_space<hbm>>
    %dma_wait3A_18 = arith.constant 0 : i32
    %dma_wait3A_19 = arith.constant 0 : i32
    %dma_wait3A_20 = tpu.memref_slice %arg5[%dma_wait3A_18, %dma_wait3A_19] : memref<4096x64xf32, #tpu.memory_space<hbm>> -> memref<128x64xf32, #tpu.memory_space<hbm>>
    tpu.wait_dma2 semaphore(%arg14 : memref<!tpu.dma_semaphore, #tpu.memory_space<semaphore_mem>>) src(%dma_wait3A_20 : memref<128x64xf32, #tpu.memory_space<hbm>>) dst(%arg11 : memref<128x64xf32, #tpu.memory_space<vmem>>)
    %dma_wait3A_21 = arith.constant 0 : i32
    %dma_wait3A_22 = arith.constant 0 : i32
    %dma_wait3A_23 = tpu.memref_slice %arg5[%dma_wait3A_21, %dma_wait3A_22] : memref<4096x64xf32, #tpu.memory_space<hbm>> -> memref<128x64xf32, #tpu.memory_space<hbm>>
    %dma_wait3A_24 = arith.constant 0 : i32
    %dma_wait3A_25 = arith.constant 0 : i32
    %dma_wait3A_26 = tpu.memref_slice %arg5[%dma_wait3A_24, %dma_wait3A_25] : memref<4096x64xf32, #tpu.memory_space<hbm>> -> memref<128x64xf32, #tpu.memory_space<hbm>>
    tpu.wait_dma2 semaphore(%arg14 : memref<!tpu.dma_semaphore, #tpu.memory_space<semaphore_mem>>) src(%dma_wait3A_26 : memref<128x64xf32, #tpu.memory_space<hbm>>) dst(%arg12 : memref<128x64xf32, #tpu.memory_space<vmem>>)
    %dma_wait3A_27 = arith.constant 0 : i32
    %dma_wait3A_28 = arith.constant 0 : i32
    %dma_wait3A_29 = tpu.memref_slice %arg5[%dma_wait3A_27, %dma_wait3A_28] : memref<4096x64xf32, #tpu.memory_space<hbm>> -> memref<128x64xf32, #tpu.memory_space<hbm>>
    %dma_wait3A_30 = arith.constant 0 : i32
    %dma_wait3A_31 = arith.constant 0 : i32
    %dma_wait3A_32 = tpu.memref_slice %arg5[%dma_wait3A_30, %dma_wait3A_31] : memref<4096x64xf32, #tpu.memory_space<hbm>> -> memref<128x64xf32, #tpu.memory_space<hbm>>
    tpu.wait_dma2 semaphore(%arg14 : memref<!tpu.dma_semaphore, #tpu.memory_space<semaphore_mem>>) src(%dma_wait3A_32 : memref<128x64xf32, #tpu.memory_space<hbm>>) dst(%arg13 : memref<128x64xf32, #tpu.memory_space<vmem>>)
    "tpu.region"() ({
      %run_scoped3A = tpu.sem_alloc : memref<!tpu.dma_semaphore, #tpu.memory_space<semaphore_mem>>
      %dma_start3A = arith.constant 0 : i32
      %dma_start3A_33 = tpu.memref_slice %arg5[%mul3A_2, %dma_start3A] : memref<4096x64xf32, #tpu.memory_space<hbm>> -> memref<128x64xf32, #tpu.memory_space<hbm>>
      %dma_start3A_34 = arith.constant 0 : i32
      %dma_start3A_35 = tpu.memref_slice %arg5[%mul3A_2, %dma_start3A_34] : memref<4096x64xf32, #tpu.memory_space<hbm>> -> memref<128x64xf32, #tpu.memory_space<hbm>>
      tpu.enqueue_dma source(%arg10 : memref<128x64xf32, #tpu.memory_space<vmem>>) target(%dma_start3A_35 : memref<128x64xf32, #tpu.memory_space<hbm>>) target_semaphore(%run_scoped3A : memref<!tpu.dma_semaphore, #tpu.memory_space<semaphore_mem>>)
      %dma_wait3A_36 = arith.constant 0 : i32
      %dma_wait3A_37 = tpu.memref_slice %arg5[%mul3A_2, %dma_wait3A_36] : memref<4096x64xf32, #tpu.memory_space<hbm>> -> memref<128x64xf32, #tpu.memory_space<hbm>>
      %dma_wait3A_38 = arith.constant 0 : i32
      %dma_wait3A_39 = tpu.memref_slice %arg5[%mul3A_2, %dma_wait3A_38] : memref<4096x64xf32, #tpu.memory_space<hbm>> -> memref<128x64xf32, #tpu.memory_space<hbm>>
      tpu.wait_dma2 semaphore(%run_scoped3A : memref<!tpu.dma_semaphore, #tpu.memory_space<semaphore_mem>>) src(%arg10 : memref<128x64xf32, #tpu.memory_space<vmem>>) dst(%dma_wait3A_39 : memref<128x64xf32, #tpu.memory_space<hbm>>)
      tpu.yield
    }) : () -> ()
    "tpu.region"() ({
      %run_scoped3A = tpu.sem_alloc : memref<!tpu.dma_semaphore, #tpu.memory_space<semaphore_mem>>
      %dma_start3A = arith.constant 0 : i32
      %dma_start3A_33 = tpu.memref_slice %arg6[%mul3A_2, %dma_start3A] : memref<4096x64xf32, #tpu.memory_space<hbm>> -> memref<128x64xf32, #tpu.memory_space<hbm>>
      %dma_start3A_34 = arith.constant 0 : i32
      %dma_start3A_35 = tpu.memref_slice %arg6[%mul3A_2, %dma_start3A_34] : memref<4096x64xf32, #tpu.memory_space<hbm>> -> memref<128x64xf32, #tpu.memory_space<hbm>>
      tpu.enqueue_dma source(%arg11 : memref<128x64xf32, #tpu.memory_space<vmem>>) target(%dma_start3A_35 : memref<128x64xf32, #tpu.memory_space<hbm>>) target_semaphore(%run_scoped3A : memref<!tpu.dma_semaphore, #tpu.memory_space<semaphore_mem>>)
      %dma_wait3A_36 = arith.constant 0 : i32
      %dma_wait3A_37 = tpu.memref_slice %arg6[%mul3A_2, %dma_wait3A_36] : memref<4096x64xf32, #tpu.memory_space<hbm>> -> memref<128x64xf32, #tpu.memory_space<hbm>>
      %dma_wait3A_38 = arith.constant 0 : i32
      %dma_wait3A_39 = tpu.memref_slice %arg6[%mul3A_2, %dma_wait3A_38] : memref<4096x64xf32, #tpu.memory_space<hbm>> -> memref<128x64xf32, #tpu.memory_space<hbm>>
      tpu.wait_dma2 semaphore(%run_scoped3A : memref<!tpu.dma_semaphore, #tpu.memory_space<semaphore_mem>>) src(%arg11 : memref<128x64xf32, #tpu.memory_space<vmem>>) dst(%dma_wait3A_39 : memref<128x64xf32, #tpu.memory_space<hbm>>)
      tpu.yield
    }) : () -> ()
    "tpu.region"() ({
      %run_scoped3A = tpu.sem_alloc : memref<!tpu.dma_semaphore, #tpu.memory_space<semaphore_mem>>
      %dma_start3A = arith.constant 0 : i32
      %dma_start3A_33 = tpu.memref_slice %arg7[%mul3A_2, %dma_start3A] : memref<4096x64xf32, #tpu.memory_space<hbm>> -> memref<128x64xf32, #tpu.memory_space<hbm>>
      %dma_start3A_34 = arith.constant 0 : i32
      %dma_start3A_35 = tpu.memref_slice %arg7[%mul3A_2, %dma_start3A_34] : memref<4096x64xf32, #tpu.memory_space<hbm>> -> memref<128x64xf32, #tpu.memory_space<hbm>>
      tpu.enqueue_dma source(%arg12 : memref<128x64xf32, #tpu.memory_space<vmem>>) target(%dma_start3A_35 : memref<128x64xf32, #tpu.memory_space<hbm>>) target_semaphore(%run_scoped3A : memref<!tpu.dma_semaphore, #tpu.memory_space<semaphore_mem>>)
      %dma_wait3A_36 = arith.constant 0 : i32
      %dma_wait3A_37 = tpu.memref_slice %arg7[%mul3A_2, %dma_wait3A_36] : memref<4096x64xf32, #tpu.memory_space<hbm>> -> memref<128x64xf32, #tpu.memory_space<hbm>>
      %dma_wait3A_38 = arith.constant 0 : i32
      %dma_wait3A_39 = tpu.memref_slice %arg7[%mul3A_2, %dma_wait3A_38] : memref<4096x64xf32, #tpu.memory_space<hbm>> -> memref<128x64xf32, #tpu.memory_space<hbm>>
      tpu.wait_dma2 semaphore(%run_scoped3A : memref<!tpu.dma_semaphore, #tpu.memory_space<semaphore_mem>>) src(%arg12 : memref<128x64xf32, #tpu.memory_space<vmem>>) dst(%dma_wait3A_39 : memref<128x64xf32, #tpu.memory_space<hbm>>)
      tpu.yield
    }) : () -> ()
    "tpu.region"() ({
      %run_scoped3A = tpu.sem_alloc : memref<!tpu.dma_semaphore, #tpu.memory_space<semaphore_mem>>
      %dma_start3A = arith.constant 0 : i32
      %dma_start3A_33 = tpu.memref_slice %arg8[%mul3A_2, %dma_start3A] : memref<4096x64xf32, #tpu.memory_space<hbm>> -> memref<128x64xf32, #tpu.memory_space<hbm>>
      %dma_start3A_34 = arith.constant 0 : i32
      %dma_start3A_35 = tpu.memref_slice %arg8[%mul3A_2, %dma_start3A_34] : memref<4096x64xf32, #tpu.memory_space<hbm>> -> memref<128x64xf32, #tpu.memory_space<hbm>>
      tpu.enqueue_dma source(%arg13 : memref<128x64xf32, #tpu.memory_space<vmem>>) target(%dma_start3A_35 : memref<128x64xf32, #tpu.memory_space<hbm>>) target_semaphore(%run_scoped3A : memref<!tpu.dma_semaphore, #tpu.memory_space<semaphore_mem>>)
      %dma_wait3A_36 = arith.constant 0 : i32
      %dma_wait3A_37 = tpu.memref_slice %arg8[%mul3A_2, %dma_wait3A_36] : memref<4096x64xf32, #tpu.memory_space<hbm>> -> memref<128x64xf32, #tpu.memory_space<hbm>>
      %dma_wait3A_38 = arith.constant 0 : i32
      %dma_wait3A_39 = tpu.memref_slice %arg8[%mul3A_2, %dma_wait3A_38] : memref<4096x64xf32, #tpu.memory_space<hbm>> -> memref<128x64xf32, #tpu.memory_space<hbm>>
      tpu.wait_dma2 semaphore(%run_scoped3A : memref<!tpu.dma_semaphore, #tpu.memory_space<semaphore_mem>>) src(%arg13 : memref<128x64xf32, #tpu.memory_space<vmem>>) dst(%dma_wait3A_39 : memref<128x64xf32, #tpu.memory_space<hbm>>)
      tpu.yield
    }) : () -> ()
    return
  }
}

module attributes {stable_mosaic.version = 14 : i64} {
  func.func @_box_body(%arg0: memref<4096x64xf32, #tpu.memory_space<vmem>>, %arg1: memref<4096x64xf32, #tpu.memory_space<vmem>>, %arg2: memref<4096x64xf32, #tpu.memory_space<vmem>>, %arg3: memref<4096x64xf32, #tpu.memory_space<vmem>>, %arg4: memref<4096xi32, #tpu.memory_space<vmem>>, %arg5: memref<4096xi32, #tpu.memory_space<vmem>>, %arg6: memref<4096x2xf32, #tpu.memory_space<vmem>>) attributes {dimension_semantics = [], scalar_prefetch = 0 : i64, scratch_operands = 0 : i64, tpu.core_type = #tpu.core_type<tc>} {
    %get3A = arith.constant 0 : index
    %get3A_0 = arith.constant 0 : index
    %get3A_1 = vector.load %arg0[%get3A, %get3A_0] : memref<4096x64xf32, #tpu.memory_space<vmem>>, vector<4096x64xf32>
    %get3A_2 = arith.constant 0 : index
    %get3A_3 = arith.constant 0 : index
    %get3A_4 = vector.load %arg1[%get3A_2, %get3A_3] : memref<4096x64xf32, #tpu.memory_space<vmem>>, vector<4096x64xf32>
    %get3A_5 = arith.constant 0 : index
    %get3A_6 = arith.constant 0 : index
    %get3A_7 = vector.load %arg2[%get3A_5, %get3A_6] : memref<4096x64xf32, #tpu.memory_space<vmem>>, vector<4096x64xf32>
    %exp3A = math.exp %get3A_7 : vector<4096x64xf32>
    %add3A = arith.addf %get3A_1, %exp3A : vector<4096x64xf32>
    %get3A_8 = arith.constant 0 : index
    %get3A_9 = arith.constant 0 : index
    %get3A_10 = vector.load %arg3[%get3A_8, %get3A_9] : memref<4096x64xf32, #tpu.memory_space<vmem>>, vector<4096x64xf32>
    %exp3A_11 = math.exp %get3A_10 : vector<4096x64xf32>
    %add3A_12 = arith.addf %get3A_4, %exp3A_11 : vector<4096x64xf32>
    %max3A = arith.maximumf %get3A_1, %get3A_4 : vector<4096x64xf32>
    %min3A = arith.minimumf %add3A, %add3A_12 : vector<4096x64xf32>
    %sub3A = arith.subf %min3A, %max3A : vector<4096x64xf32>
    %reduce_min3A = arith.constant dense<0x7F800000> : vector<4096xf32>
    %reduce_min3A_13 = vector.multi_reduction <minimumf>, %sub3A, %reduce_min3A [1] : vector<4096x64xf32> to vector<4096xf32>
    %gt3A = arith.constant 0.000000e+00 : f32
    %gt3A_14 = vector.broadcast %gt3A : f32 to vector<4096xf32>
    %gt3A_15 = arith.cmpf ogt, %reduce_min3A_13, %gt3A_14 : vector<4096xf32>
    %broadcast_in_dim3A = vector.shape_cast %gt3A_15 : vector<4096xi1> to vector<4096x1xi1>
    %max3A_16 = arith.constant 0.000000e+00 : f32
    %max3A_17 = vector.broadcast %max3A_16 : f32 to vector<4096x64xf32>
    %max3A_18 = arith.maximumf %sub3A, %max3A_17 : vector<4096x64xf32>
    %jit3A = arith.constant 1.17549435E-38 : f32
    %max3A_19 = vector.broadcast %jit3A : f32 to vector<4096x64xf32>
    %max3A_20 = arith.maximumf %max3A_19, %max3A_18 : vector<4096x64xf32>
    %jit3A_21 = arith.constant 1.000000e+00 : f32
    %broadcast_in_dim3A_22 = vector.shape_cast %broadcast_in_dim3A : vector<4096x1xi1> to vector<4096x1xi1>
    %broadcast_in_dim3A_23 = vector.broadcast %broadcast_in_dim3A_22 : vector<4096x1xi1> to vector<4096x64xi1>
    %broadcast_in_dim3A_24 = vector.broadcast %jit3A_21 : f32 to vector<4096x64xf32>
    %select_n3A = arith.select %broadcast_in_dim3A_23, %max3A_20, %broadcast_in_dim3A_24 : vector<4096x64xi1>, vector<4096x64xf32>
    %log3A = math.log %select_n3A : vector<4096x64xf32>
    %reduce_sum3A = arith.constant dense<0.000000e+00> : vector<4096xf32>
    %reduce_sum3A_25 = vector.multi_reduction <add>, %log3A, %reduce_sum3A [1] : vector<4096x64xf32> to vector<4096xf32>
    %neg3A = arith.constant 0.000000e+00 : f32
    %neg3A_26 = vector.broadcast %neg3A : f32 to vector<4096x64xf32>
    %neg3A_27 = arith.subf %neg3A_26, %sub3A : vector<4096x64xf32>
    %max3A_28 = arith.constant 0.000000e+00 : f32
    %max3A_29 = vector.broadcast %max3A_28 : f32 to vector<4096x64xf32>
    %max3A_30 = arith.maximumf %neg3A_27, %max3A_29 : vector<4096x64xf32>
    %mul3A = arith.mulf %max3A_30, %max3A_30 : vector<4096x64xf32>
    %reduce_sum3A_31 = arith.constant dense<0.000000e+00> : vector<4096xf32>
    %reduce_sum3A_32 = vector.multi_reduction <add>, %mul3A, %reduce_sum3A_31 [1] : vector<4096x64xf32> to vector<4096xf32>
    %gt3A_33 = arith.constant 0.000000e+00 : f32
    %gt3A_34 = vector.broadcast %gt3A_33 : f32 to vector<4096xf32>
    %gt3A_35 = arith.cmpf ogt, %reduce_sum3A_32, %gt3A_34 : vector<4096xf32>
    %gt3A_36 = arith.constant 0.000000e+00 : f32
    %gt3A_37 = vector.broadcast %gt3A_36 : f32 to vector<4096xf32>
    %gt3A_38 = arith.cmpf ogt, %reduce_sum3A_32, %gt3A_37 : vector<4096xf32>
    %jit3A_39 = arith.constant 1.000000e+00 : f32
    %broadcast_in_dim3A_40 = vector.broadcast %jit3A_39 : f32 to vector<4096xf32>
    %select_n3A_41 = arith.select %gt3A_38, %reduce_sum3A_32, %broadcast_in_dim3A_40 : vector<4096xi1>, vector<4096xf32>
    %sqrt3A = math.sqrt %select_n3A_41 : vector<4096xf32>
    %jit3A_42 = arith.constant 0.000000e+00 : f32
    %broadcast_in_dim3A_43 = vector.broadcast %jit3A_42 : f32 to vector<4096xf32>
    %select_n3A_44 = arith.select %gt3A_35, %sqrt3A, %broadcast_in_dim3A_43 : vector<4096xi1>, vector<4096xf32>
    %select_n3A_45 = arith.select %gt3A_15, %reduce_sum3A_25, %select_n3A_44 : vector<4096xi1>, vector<4096xf32>
    %sub3A_46 = arith.subf %add3A_12, %get3A_4 : vector<4096x64xf32>
    %max3A_47 = arith.constant 0.000000e+00 : f32
    %max3A_48 = vector.broadcast %max3A_47 : f32 to vector<4096x64xf32>
    %max3A_49 = arith.maximumf %sub3A_46, %max3A_48 : vector<4096x64xf32>
    %jit3A_50 = arith.constant 1.17549435E-38 : f32
    %max3A_51 = vector.broadcast %jit3A_50 : f32 to vector<4096x64xf32>
    %max3A_52 = arith.maximumf %max3A_51, %max3A_49 : vector<4096x64xf32>
    %log3A_53 = math.log %max3A_52 : vector<4096x64xf32>
    %reduce_sum3A_54 = arith.constant dense<0.000000e+00> : vector<4096xf32>
    %reduce_sum3A_55 = vector.multi_reduction <add>, %log3A_53, %reduce_sum3A_54 [1] : vector<4096x64xf32> to vector<4096xf32>
    %sub3A_56 = arith.subf %select_n3A_45, %reduce_sum3A_55 : vector<4096xf32>
    %exp3A_57 = math.exp %sub3A_56 : vector<4096xf32>
    %select_n3A_58 = arith.select %gt3A_15, %exp3A_57, %select_n3A_45 : vector<4096xi1>, vector<4096xf32>
    %swap3A = arith.constant 0 : index
    %swap3A_59 = vector.load %arg4[%swap3A] : memref<4096xi32, #tpu.memory_space<vmem>>, vector<4096xi32>
    %swap3A_60 = arith.extui %gt3A_15 : vector<4096xi1> to vector<4096xi32>
    %swap3A_61 = arith.constant dense<0> : vector<4096xi32>
    %swap3A_62 = arith.cmpi ne, %swap3A_59, %swap3A_61 : vector<4096xi32>
    tpu.vector_store %arg4[%swap3A], %swap3A_60 {strides = array<i32>} : memref<4096xi32, #tpu.memory_space<vmem>>, vector<4096xi32>,
    %not3A = arith.constant dense<true> : vector<4096xi1>
    %not3A_63 = arith.xori %gt3A_15, %not3A : vector<4096xi1>
    %swap3A_64 = arith.constant 0 : index
    %swap3A_65 = vector.load %arg5[%swap3A_64] : memref<4096xi32, #tpu.memory_space<vmem>>, vector<4096xi32>
    %swap3A_66 = arith.extui %not3A_63 : vector<4096xi1> to vector<4096xi32>
    %swap3A_67 = arith.constant dense<0> : vector<4096xi32>
    %swap3A_68 = arith.cmpi ne, %swap3A_65, %swap3A_67 : vector<4096xi32>
    tpu.vector_store %arg5[%swap3A_64], %swap3A_66 {strides = array<i32>} : memref<4096xi32, #tpu.memory_space<vmem>>, vector<4096xi32>,
    %sub3A_69 = arith.constant 1.000000e+00 : f32
    %sub3A_70 = vector.broadcast %sub3A_69 : f32 to vector<4096xf32>
    %sub3A_71 = arith.subf %sub3A_70, %select_n3A_58 : vector<4096xf32>
    %swap3A_72 = arith.constant 0 : index
    %swap3A_73 = arith.constant 0 : index
    %swap3A_74 = vector.load %arg6[%swap3A_72, %swap3A_73] : memref<4096x2xf32, #tpu.memory_space<vmem>>, vector<4096x1xf32>
    %swap3A_75 = vector.shape_cast %swap3A_74 : vector<4096x1xf32> to vector<4096xf32>
    %swap3A_76 = vector.shape_cast %sub3A_71 : vector<4096xf32> to vector<4096x1xf32>
    tpu.vector_store %arg6[%swap3A_72, %swap3A_73], %swap3A_76 {strides = array<i32>} : memref<4096x2xf32, #tpu.memory_space<vmem>>, vector<4096x1xf32>,
    %swap3A_77 = arith.constant 0 : index
    %swap3A_78 = arith.constant 1 : index
    %swap3A_79 = vector.load %arg6[%swap3A_77, %swap3A_78] : memref<4096x2xf32, #tpu.memory_space<vmem>>, vector<4096x1xf32>
    %swap3A_80 = vector.shape_cast %swap3A_79 : vector<4096x1xf32> to vector<4096xf32>
    %swap3A_81 = vector.shape_cast %select_n3A_58 : vector<4096xf32> to vector<4096x1xf32>
    tpu.vector_store %arg6[%swap3A_77, %swap3A_78], %swap3A_81 {strides = array<i32>} : memref<4096x2xf32, #tpu.memory_space<vmem>>, vector<4096x1xf32>,
    return
  }
}

</mosaic_0001>

<sc_bundles>
// kernel: kernel.4.cloned.1.call-start
scs
__scs_entry_jumppad:
0x0: {  	(pc) =	sbr.rel $0x88, $3  }
0x1: {  	(tag) =	ssettag $0x0;
	lr =	simm.s32 $0x1  }
0x2: {  	[smem:$0x3F9E] =	sst lr;
	_ =	strace $0xD0000000  }
0x3: {  	_ = 	snop  }
0x4: {  	_ = 	snop  }
0x5: {  	_ = 	snop  }
0x6: {  	_ = 	snop  }
0x7: {  	_ = 	snop  }
__scs_overlays_trampoline_lowered:
0x8: {  	[smem:$0x3FAD] =	sst s0  }
0x9: {  	[smem:$0x3FAE] =	sst s1  }
0xa: {  	[smem:$0x3FAF] =	sst s2  }
0xb: {  	[smem:$0x3FB0] =	sst s3  }
0xc: {  	[smem:$0x3FB1] =	sst s4  }
0xd: {  	[smem:$0x3FB2] =	sst s5  }
0xe: {  	[smem:$0x3FB3] =	sst s6  }
0xf: {  	[smem:$0x3FB4] =	sst s7  }
0x10: {  	[smem:$0x3FB5] =	sst s8  }
0x11: {  	[smem:$0x3FB6] =	sst s9;
	s0 =	simm.s32 @!p0 $0x0  }
0x12: {  	s1 =	sld [smem:$0x3F9C];
	s0 =	simm.s32 @p0 $0x1  }
0x13: {  	[smem:$0x3FB7] =	sst s0;
	s0 =	simm.s32 @!p1 $0x0  }
0x14: {  	s2 =	sld [smem:$0x3F9B];
	s0 =	simm.s32 @p1 $0x1  }
0x15: {  	[smem:$0x3FB8] =	sst s0;
	s0 =	simm.s32 @!p2 $0x0  }
0x16: {  	s3 =	sld [smem:$0x3FDB];
	s0 =	simm.s32 @p2 $0x1  }
0x17: {  	s4 =	simm.s32 $0x1BF5;
	[smem:$0x3FBA] =	sst s0  }
0x18: {  	s0 =	sld [smem:$0x3F9D];
	_ =	swait.ge [sflag:s4], $0x0  }
0x19: {  	s7 =	sld [smem:$0x3F9E]  }
0x1a: {  	s8 =	sadd.s32 $0xFFFFE003, lr  }
0x1b: {  	s9 =	sadd.s32 $0xFFFFFEF7, lr;
	s5 =	simm.s32 $0xFFFFFFFF;
	p2 =	slt.u32 s8, $0xFFFFF086  }
0x1c: {  	p1 =	slt.u32 s9, $0xF7A;
	s5 =	simm.s32 @!p2 $0x0  }
0x1d: {  	s5 =	simm.s32 @p1 $0x1;
	p0 =	seq.s32 s7, s2  }
0x1e: {  	s7 =	smul.u32 @!p0 $0xF7A, s2;
	p2 =	seq.s32 @!p0 s5, $0x0  }
0x1f: {  	s9 =	smul.u32 $0xF7A, s1;
	s8 =	simm.s32 @!p0 $0x1BF5;
	p2 =	por !p2, p0  }
0x20: {  	[sflag:s8] =	ssyncset.s32 @!p0 $0xFFFFF086;
	s6 =	sadd.s32 @!p0 s3, s7;
	s7 =	simm.s32 @!p0 $0x108  }
0x21: {  	s3 =	sadd.s32 s3, s9;
	s6 =	sadd.s32 @!p0 $0x88, s6;
	s7 =	simm.s32 @p2 $0x1082  }
0x22: {  	[simem:s7], [sflag:s8] =	dma.local @!p0 [hbm:s6], $0xF7A  }
0x23: {  	s9 =	sor.u32 $0xD0000000, s2;
	s6 =	simm.s32 $0x108;
	_ =	swait.ge @!p0 [sflag:s8], $0x0  }
0x24: {  	s3 =	sadd.s32 $0x88, s3;
	s6 =	simm.s32 @!p1 $0x1082;
	[sflag:s4] =	ssyncset.s32 $0xFFFFF086  }
0x25: {  	[simem:s6], [sflag:s4] =	dma.local [hbm:s3], $0xF7A  }
0x26: {  	[smem:$0x3F9E] =	sst s1;
	(tag) =	ssettag s2;
	_ =	strace s9  }
0x27: {  	s1 =	sld [smem:$0x3FAE]  }
0x28: {  	s2 =	sld [smem:$0x3FAF]  }
0x29: {  	s4 =	sld [smem:$0x3FB1]  }
0x2a: {  	p0 =	seq.s32 s5, $0x0;
	s5 =	sld [smem:$0x3FB2]  }
0x2b: {  	s6 =	sld [smem:$0x3FB3]  }
0x2c: {  	s7 =	sld [smem:$0x3FB4]  }
0x2d: {  	s3 =	simm.s32 $0x108;
	s8 =	sld [smem:$0x3FB5]  }
0x2e: {  	s3 =	simm.s32 @!p0 $0x1082;
	s9 =	sld [smem:$0x3FB6]  }
0x2f: {  	lr =	sadd.s32 s0, s3;
	s0 =	sld [smem:$0x3FAD]  }
0x30: {  	s3 =	sld [smem:$0x3FB0]  }
0x31: {  	[smem:$0x3FB9] =	sst s10  }
0x32: {  	s10 =	sld [smem:$0x3FB7];
	_ =	sdelay $0x3  }
0x33: {  	p0 =	seq.s32 s10, $0x1;
	s10 =	sld [smem:$0x3FB9];
	_ =	sdelay $0x3  }
0x34: {  	[smem:$0x3FB9] =	sst s10  }
0x35: {  	s10 =	sld [smem:$0x3FB8];
	_ =	sdelay $0x3  }
0x36: {  	p1 =	seq.s32 s10, $0x1;
	s10 =	sld [smem:$0x3FB9];
	_ =	sdelay $0x3  }
0x37: {  	[smem:$0x3FB9] =	sst s10  }
0x38: {  	s10 =	sld [smem:$0x3FBA]  }
0x39: {  	_ = 	snop;
	(pc) =	sbr.ind lr, $3  }
0x3a: {  	_ = 	snop  }
0x3b: {  	_ = 	snop  }
0x3c: {  	p2 =	seq.s32 s10, $0x1;
	s10 =	sld [smem:$0x3FB9]  }
0x3d: {  	_ =	shalt  }
0x3e: {  	_ =	shalt  }
0x3f: {  	_ =	shalt  }
0x40: {  	_ =	shalt  }
0x41: {  	_ =	shalt  }
0x42: {  	_ =	shalt  }
0x43: {  	_ =	shalt  }
0x44: {  	_ =	shalt  }
0x45: {  	_ =	shalt  }
0x46: {  	_ =	shalt  }
0x47: {  	_ =	shalt  }
0x48: {  	_ =	shalt  }
0x49: {  	_ =	shalt  }
0x4a: {  	_ =	shalt  }
0x4b: {  	_ =	shalt  }
0x4c: {  	_ =	shalt  }
0x4d: {  	_ =	shalt  }
0x4e: {  	_ =	shalt  }
0x4f: {  	_ =	shalt  }
0x50: {  	_ =	shalt  }
0x51: {  	_ =	shalt  }
0x52: {  	_ =	shalt  }
0x53: {  	_ =	shalt  }
0x54: {  	_ =	shalt  }
0x55: {  	_ =	shalt  }
0x56: {  	_ =	shalt  }
0x57: {  	_ =	shalt  }
0x58: {  	_ =	shalt  }
0x59: {  	_ =	shalt  }
0x5a: {  	_ =	shalt  }
0x5b: {  	_ =	shalt  }
0x5c: {  	_ =	shalt  }
0x5d: {  	_ =	shalt  }
0x5e: {  	_ =	shalt  }
0x5f: {  	_ =	shalt  }
0x60: {  	_ =	shalt  }
0x61: {  	_ =	shalt  }
0x62: {  	_ =	shalt  }
0x63: {  	_ =	shalt  }
0x64: {  	_ =	shalt  }
0x65: {  	_ =	shalt  }
0x66: {  	_ =	shalt  }
0x67: {  	_ =	shalt  }
0x68: {  	_ =	shalt  }
0x69: {  	_ =	shalt  }
0x6a: {  	_ =	shalt  }
0x6b: {  	_ =	shalt  }
0x6c: {  	_ =	shalt  }
0x6d: {  	_ =	shalt  }
0x6e: {  	_ =	shalt  }
0x6f: {  	_ =	shalt  }
0x70: {  	_ =	shalt  }
0x71: {  	_ =	shalt  }
0x72: {  	_ =	shalt  }
0x73: {  	_ =	shalt  }
0x74: {  	_ =	shalt  }
0x75: {  	_ =	shalt  }
0x76: {  	_ =	shalt  }
0x77: {  	_ =	shalt  }
0x78: {  	_ =	shalt  }
0x79: {  	_ =	shalt  }
0x7a: {  	_ =	shalt  }
0x7b: {  	_ =	shalt  }
0x7c: {  	_ =	shalt  }
0x7d: {  	_ =	shalt  }
0x7e: {  	_ =	shalt  }
0x7f: {  	_ =	shalt  }
0x80: {  	_ =	shalt  }
0x81: {  	_ =	shalt  }
0x82: {  	_ =	shalt  }
0x83: {  	_ =	shalt  }
0x84: {  	_ =	shalt  }
0x85: {  	_ =	shalt  }
0x86: {  	_ =	shalt  }
0x87: {  	_ =	shalt  }
.Lfunc_end0:
.L_simem_size_0:
called_computation_lowered:
.L_overlay_start_0:
0x88: {  	s2 =	sld [smem:$0x3FD9]  }
0x89: {  	s3 =	sld [smem:$0x3FFE];
	_ =	sdelay $0x1  }
0x8a: {  	s1 =	srdreg.scid  }
0x8b: {  	s0 =	sand.u32 $0x1, s1  }
0x8c: {  	s14 =	sshll.u32 s0, $0xA;
	s2 =	sadd.s32 s3, s2  }
0x8d: {  	s2 =	sadd.s32 s2, s14  }
0x8e: {  	[smem:$0x3FC5] =	sst s2  }
0x8f: {  	_ = 	snop  }
0x90: {  	s2 =	sld [smem:$0x3FD0];
	_ =	sdelay $0x2  }
0x91: {  	s15 =	simm.s32 $0xA;
	s4 =	simm.s32 $0x10  }
0x92: {  	[smem:s4], [sflag:s15] =	dma.local [hbm:s2], $0x1  }
0x93: {  	_ =	swait.eq [sflag:s15], $0x1  }
0x94: {  	[sflag:s15] =	ssyncset.done $0x0  }
0x95: {  	[sflag:s15] =	ssyncadd.s32 $0xFFFFFFFF  }
0x96: {  	s16 =	sld [smem:$0x12];
	(tm) =	ssettm $0x1  }
0x97: {  	s17 =	sld [smem:$0x3FFB];
	_ =	sdelay $0x3  }
0x98: {  	_ =	strace s17  }
0x99: {  	s3 =	sld [smem:$0x3FFC];
	_ =	sdelay $0x3  }
0x9a: {  	_ =	strace s3  }
0x9b: {  	s3 =	sld [smem:$0x3FFD];
	_ =	sdelay $0x3  }
0x9c: {  	_ =	strace s3  }
0x9d: {  	_ =	strace $0x8FFFFFFF  }
0x9e: {  	s18 =	sld [smem:$0x3FDB];
	_ =	sdelay $0x1  }
0x9f: {  	s19 =	simm.s32 $_scs_section_size  }
0xa0: {  	s5 =	simm.s32 $_size__tile_overlayer_lowered;
	s6 =	simm.s32 $_tile_overlayer_lowered  }
0xa1: {  	s22 =	simm.s32 $0x1BFF;
	s21 =	sshll.u32 s6, $0x1;
	s3 =	sadd.s32 s19, s18  }
0xa2: {  	s7 =	simm.s32 $0x0;
	s20 =	sshll.u32 s5, $0x1;
	s5 =	sadd.s32 s21, s3  }
0xa3: {  	[timem:s7], [sflag:s22] =	dma.local [hbm:s5], s20  }
0xa4: {  	_ =	swait.ge [sflag:s22], s20  }
0xa5: {  	s4 =	ssub.s32 $0x0, s20;
	[sflag:s22] =	ssyncset.done $0x0  }
0xa6: {  	[sflag:s22] =	ssyncadd.s32 s4;
	_ =	sdelay $0x1  }
0xa7: {  	s23 =	simm.s32 $0x1B8B  }
0xa8: {  	_ =	swait.ge [sflag:s23], $0x1  }
0xa9: {  	[sflag:s23] =	ssyncset.done $0x0  }
0xaa: {  	s25 =	simm.s32 $0x1B8E;
	s24 =	sld [smem:$0x3FFE];
	[sflag:s23] =	ssyncadd.s32 $0xFFFFFFFF  }
0xab: {  	s26 =	simm.s32 $execute0_lowered;
	[smem:$0x3FD2] =	sst s25  }
0xac: {  	s5 =	sshll.u32 s26, $0x1;
	_ =	strace $0x80000046;
	[dreg:$0x1] =	wrdreg $0xFFFFFFFF  }
0xad: {  	s28 =	simm.s32 $_size_execute0_lowered;
	s3 =	sadd.s32 s3, s5;
	[dreg:$0x0] =	wrdreg $0x0  }
0xae: {  	s5 =	sshll.u32 s28, $0x1;
	[dreg:$0x2] =	wrdreg s3  }
0xaf: {  	[dreg:$0x3] =	wrdreg s5  }
0xb0: {  	[dreg:$0x4] =	wrdreg $0xC0  }
0xb1: {  	_ =	task [dreg:s7], $0x5FFFF  }
0xb2: {  	[dreg:$0x1] =	wrdreg $0xFFFFFFFF  }
0xb3: {  	[dreg:$0x0] =	wrdreg $0x60  }
0xb4: {  	[dreg:$0x2] =	wrdreg s24  }
0xb5: {  	[dreg:$0x3] =	wrdreg s16  }
0xb6: {  	[dreg:$0x4] =	wrdreg $0x9  }
0xb7: {  	_ =	task.clear_ibuf [dreg:s7], $0x5FFFF;
	_ =	strace $0x90000046  }
0xb8: {  	s29 =	simm.s32 $0x9;
	_ =	strace $0x80000048  }
0xb9: {  	_ =	swait.ge [sflag:s29], $0x1  }
0xba: {  	[sflag:s29] =	ssyncadd.s32 $0xFFFFFFFF  }
0xbb: {  	_ =	strace $0x90000048  }
0xbc: {  	_ =	sfence  }
0xbd: {  	s30 =	sld [smem:$0x0];
	_ =	sdelay $0x2  }
0xbe: {  	s31 =	sshll.u32 s1, $0xD;
	s1 =	sshrl.u32 s1, $0x2  }
0xbf: {  	s3 =	sand.u32 $0x4000, s31;
	s1 =	sadd.s32 s1, s30  }
0xc0: {  	s0 =	sor.u32 s3, s0;
	s1 =	sshll.u32 s1, $0x11  }
0xc1: {  	s0 =	sor.u32 s1, s0  }
0xc2: {  	s0 =	sadd.s32 $0x8F2B, s0  }
0xc3: {  	[sflag:s0] =	ssyncadd.remote.s32 $0x1  }
0xc4: {  	_ =	sfence.sel $0xFFFF  }
0xc5: {  	[dreg:$0x0] =	wrdreg $0xFFFFFFFF;
	(pc) =	sbr.abs _section_cstart, $3  }
0xc6: {  	[dreg:$0x1] =	wrdreg $0xFFFFFFFF  }
0xc7: {  	_ =	task.clear_ibuf [dreg:s7], $0x2FFFF;
	_ =	strace $0x9FFFFFFF  }
0xc8: {  	(tm) =	ssettm $0x7FFFFFFF  }
0xc9: {  	_ =	shalt  }
tec
execute0_lowered:
.L_overlay_start_1:
0x0: {  	(tag) =	ssettag $0x1  }
0x1: {  	s0 =	rddreg [dreg:$0x0];
	s1 =	srdreg.scid  }
0x2: {  	s2 =	stileid.u32;
	s7 =	rddreg [dreg:$0x1]  }
0x3: {  	s11 =	simm.s32 $0x2;
	s12 =	simm.s32 $0x1;
	s17 =	simm.s32 $0x0  }
0x4: {  	s1 =	sand.u32 $0x1, s1;
	s3 =	sshll.u32 s2, $0x1;
	s2 =	simm.s32 $0x0  }
0x5: {  	s6 =	sor.u32 s1, s3;
	[smem:$0x7FF] =	sst s2;
	s3 =	sadd.s32 $0x3000, s0  }
0x6: {  	vm1 =	vcmask $0x308;
	s26 =	ssub.s32 $0x2, s1;
	s4 =	sshll.u32 s6, $0xB;
	s8 =	sshll.u32 s6, $0x5  }
0x7: {  	vm2 =	vcmask $0x70C;
	vm3 =	vcmask $0xB10;
	vm4 =	vcmask $0xF14;
	_ =	strace $0x80000047;
	s9 =	sadd.s32 s4, s0;
	s30 =	sadd.s32 s7, s8  }
0x8: {  	vm5 =	vcmask $0x1318;
	vm6 =	vcmask $0x171C;
	vm7 =	vcmask $0x1B20;
	s29 =	sshrl.u32 s26, $0x1;
	s28 =	sadd.s32 $0x310400, s9;
	[dreg:$0x5] =	wrdreg s30  }
0x9: {  	vm0 =	vmmov $0x1;
	vm8 =	vcmask $0x1F24;
	vm9 =	vcmask $0x2328;
	s4 =	sadd.s32 $0x189A00, s0;
	s5 =	sadd.s32 $0x320400, s9;
	[dreg:$0x3] =	wrdreg s28  }
0xa: {  	vm10 =	vcmask $0x272C;
	vm11 =	vcmask $0x2B30;
	vm12 =	vcmask $0x2F34;
	s0 =	ssub.s32 s26, s29;
	s31 =	sadd.s32 $0x330400, s9;
	[dreg:$0x4] =	wrdreg s5  }
0xb: {  	vm13 =	vcmask $0x3338;
	vm14 =	vcmask $0x373C;
	vm15 =	vmmov $0x7fff;
	s9 =	sadd.s32 $0x340400, s9;
	s10 =	smax.u32 s0, $0x1;
	[dreg:$0x6] =	wrdreg s31  }
.LBB2_1:
0xc: {  	s0 =	rddreg [dreg:$0x5]  }
0xd: {  	[tilespmem:s2], [sflag:$0x2] =	stream.linear.gather [hbm4b:s0+s2], $0x100, $0x38;
	[tilespmem:$0x10100] =	vst v63  }
0xe: {  	_ =	swait.ge [sflag:s11], $0x100  }
0xf: {  	[sflag:s11] =	ssyncset.done $0x0  }
0x10: {  	[sflag:s11] =	ssyncadd.s32 $0xFFFFFF00  }
0x11: {  	v0 =	vld [tilespmem:s2+$0x0];
	_ =	sdelay $0x4  }
0x12: {  	v1 =	vsel vm10, $0x0, v0  }
0x13: {  	v2 =	vnsel vm0, $0x0, v0;
	(xrf0) =	vadd.scan.msk.s32 $0xffff, v1  }
0x14: {  	v35 =	vsel vm1, $0x0, v0;
	(xrf0) =	vadd.scan.msk.s32 $0xffff, v2  }
0x15: {  	v36 =	vsel vm2, $0x0, v0;
	(xrf0) =	vadd.scan.msk.s32 $0xffff, v35  }
0x16: {  	(xrf0) =	vadd.scan.msk.s32 $0xffff, v36;
	_ =	sdelay $0x1  }
0x17: {  	v39 =	vsel vm3, $0x0, v0  }
0x18: {  	v37, _, _ =	vpop (xrf0);
	(xrf0) =	vadd.scan.msk.s32 $0xffff, v39  }
0x19: {  	v38, _, _ =	vpop (xrf0);
	(v2sf) =	vpush v37, $0xF  }
0x1a: {  	(v2sf) =	vpush v38, $0xF;
	v40, _, _ =	vpop (xrf0)  }
0x1b: {  	(v2sf) =	vpush v40, $0xF;
	v41, _, _ =	vpop (xrf0)  }
0x1c: {  	(v2sf) =	vpush v41, $0xF  }
0x1d: {  	v42 =	vsel vm4, $0x0, v0  }
0x1e: {  	(xrf0) =	vadd.scan.msk.s32 $0xffff, v42;
	v43, _, _ =	vpop (xrf0)  }
0x1f: {  	(v2sf) =	vpush v43, $0xF  }
0x20: {  	v44 =	vsel vm5, $0x0, v0  }
0x21: {  	(xrf0) =	vadd.scan.msk.s32 $0xffff, v44;
	_ =	sdelay $0x2  }
0x22: {  	v46 =	vsel vm6, $0x0, v0;
	v45, _, _ =	vpop (xrf0)  }
0x23: {  	(xrf0) =	vadd.scan.msk.s32 $0xffff, v46;
	(v2sf) =	vpush v45, $0xF  }
0x24: {  	s18 =	simm.s32 $0x1000;
	s13 =	simm.s32 $0x100;
	s26 =	simm.s32 $0x8100;
	v47 =	vsel vm7, $0x0, v0  }
0x25: {  	s29 =	simm.s32 $0x4100;
	s31 =	simm.s32 $0xC100;
	s5 =	simm.s32 $0x180;
	v48, _, _ =	vpop (xrf0);
	(xrf0) =	vadd.scan.msk.s32 $0xffff, v47  }
0x26: {  	s8 =	simm.s32 $0x8180;
	s14 =	simm.s32 $0x4180;
	s20 =	spop (v2sf)  }
0x27: {  	s16 =	simm.s32 $0xC180;
	s23 =	simm.s32 $0x8200;
	(v2sf) =	vpush v48, $0xF;
	s25 =	spop (v2sf)  }
0x28: {  	s24 =	simm.s32 $0xC200;
	v49 =	vsel vm8, $0x0, v0;
	s0 =	sshll.u32 s25, $0x4;
	s1 =	spop (v2sf)  }
0x29: {  	v50, _, _ =	vpop (xrf0);
	(xrf0) =	vadd.scan.msk.s32 $0xffff, v49;
	s0 =	sand.u32 $0x1FFFFFF0, s0;
	s19 =	spop (v2sf);
	s1 =	sshll.u32 s1, $0x4  }
0x2a: {  	(v2sf) =	vpush v50, $0xF;
	s21 =	sadd.s32 s3, s0;
	s19 =	sshll.u32 s19, $0x4;
	s1 =	sand.u32 $0x1FFFFFF0, s1  }
0x2b: {  	v51, _, _ =	vpop (xrf0);
	[tilespmem:s13], [sflag:$0x1] =	stream.linear.gather [hbm4b:s21+s2], $0x80, $0x38;
	[tilespmem:$0x10100] =	vst v63  }
0x2c: {  	(v2sf) =	vpush v51, $0xF;
	s0 =	sadd.s32 s4, s0;
	s19 =	sand.u32 $0x1FFFFFF0, s19;
	s28 =	spop (v2sf)  }
0x2d: {  	v52 =	vsel vm9, $0x0, v0;
	[tilespmem:s26], [sflag:$0x1] =	stream.linear.gather [hbm4b:s0+s2], $0x80, $0x38;
	[tilespmem:$0x10100] =	vst v63  }
0x2e: {  	(xrf0) =	vadd.scan.msk.s32 $0xffff, v52;
	s30 =	sadd.s32 s3, s1;
	s1 =	sadd.s32 s4, s1;
	s0 =	sshll.u32 s28, $0x4  }
0x2f: {  	v53, _, _ =	vpop (xrf0);
	[tilespmem:s29], [sflag:$0x1] =	stream.linear.gather [hbm4b:s30+s2], $0x80, $0x38;
	[tilespmem:$0x10100] =	vst v63  }
0x30: {  	(v2sf) =	vpush v53, $0xF;
	s6 =	sadd.s32 s3, s19;
	s19 =	sadd.s32 s4, s19;
	s0 =	sand.u32 $0x1FFFFFF0, s0  }
0x31: {  	[tilespmem:s31], [sflag:$0x1] =	stream.linear.gather [hbm4b:s1+s2], $0x80, $0x38;
	[tilespmem:$0x10100] =	vst v63  }
0x32: {  	s7 =	spop (v2sf);
	s26 =	simm.s32 $0x4200;
	s15 =	sadd.s32 s3, s0  }
0x33: {  	v55 =	vsel vm11, $0x0, v0;
	[tilespmem:s5], [sflag:$0x1] =	stream.linear.gather [hbm4b:s6+s2], $0x80, $0x38;
	[tilespmem:$0x10100] =	vst v63  }
0x34: {  	v54, _, _ =	vpop (xrf0);
	(xrf0) =	vadd.scan.msk.s32 $0xffff, v55;
	s0 =	sadd.s32 s4, s0;
	s1 =	sshll.u32 s7, $0x4;
	s31 =	simm.s32 $0x280  }
0x35: {  	[tilespmem:s8], [sflag:$0x1] =	stream.linear.gather [hbm4b:s19+s2], $0x80, $0x38;
	[tilespmem:$0x10100] =	vst v63  }
0x36: {  	s7 =	simm.s32 $0x8280;
	s1 =	sand.u32 $0x1FFFFFF0, s1;
	s21 =	spop (v2sf)  }
0x37: {  	s22 =	sadd.s32 s3, s1;
	s1 =	sadd.s32 s4, s1;
	s13 =	sshll.u32 s21, $0x4  }
0x38: {  	v56 =	vsel vm12, $0x0, v0;
	[tilespmem:s14], [sflag:$0x1] =	stream.linear.gather [hbm4b:s15+s2], $0x80, $0x38;
	[tilespmem:$0x10100] =	vst v63  }
0x39: {  	(xrf0) =	vadd.scan.msk.s32 $0xffff, v56;
	s19 =	simm.s32 $0x200;
	s25 =	spop (v2sf);
	s13 =	sand.u32 $0x1FFFFFF0, s13  }
0x3a: {  	(v2sf) =	vpush v54, $0xF;
	[tilespmem:s16], [sflag:$0x1] =	stream.linear.gather [hbm4b:s0+s2], $0x80, $0x38;
	[tilespmem:$0x10100] =	vst v63  }
0x3b: {  	v58, _, _ =	vpop (xrf0);
	s28 =	sshll.u32 s25, $0x4;
	s14 =	simm.s32 $0x4280;
	s30 =	spop (v2sf)  }
0x3c: {  	(v2sf) =	vpush v58, $0xF;
	[tilespmem:s19], [sflag:$0x1] =	stream.linear.gather [hbm4b:s22+s2], $0x80, $0x38;
	[tilespmem:$0x10100] =	vst v63  }
0x3d: {  	s29 =	sadd.s32 s3, s13;
	s13 =	sadd.s32 s4, s13;
	s0 =	sshll.u32 s30, $0x4  }
0x3e: {  	[tilespmem:s23], [sflag:$0x1] =	stream.linear.gather [hbm4b:s1+s2], $0x80, $0x38;
	[tilespmem:$0x10100] =	vst v63  }
0x3f: {  	v59, _, _ =	vpop (xrf0);
	s6 =	spop (v2sf);
	s0 =	sand.u32 $0x1FFFFFF0, s0;
	s19 =	simm.s32 $0x0  }
0x40: {  	v57 =	vsel vm13, $0x0, v0;
	(v2sf) =	vpush v59, $0xF;
	[tilespmem:s26], [sflag:$0x1] =	stream.linear.gather [hbm4b:s29+s2], $0x80, $0x38;
	[tilespmem:$0x10100] =	vst v63  }
0x41: {  	(xrf0) =	vadd.scan.msk.s32 $0xffff, v57;
	s15 =	sadd.s32 s3, s0;
	s22 =	simm.s32 $0xC280;
	s1 =	sand.u32 $0x1FFFFFF0, s28  }
0x42: {  	[tilespmem:s24], [sflag:$0x1] =	stream.linear.gather [hbm4b:s13+s2], $0x80, $0x38;
	[tilespmem:$0x10100] =	vst v63  }
0x43: {  	s0 =	sadd.s32 s4, s0;
	s23 =	simm.s32 $0x300;
	s5 =	sadd.s32 s3, s1  }
0x44: {  	v60 =	vsel vm14, $0x0, v0;
	[tilespmem:s31], [sflag:$0x1] =	stream.linear.gather [hbm4b:s5+s2], $0x80, $0x38;
	[tilespmem:$0x10100] =	vst v63  }
0x45: {  	(xrf0) =	vadd.scan.msk.s32 $0xffff, v60;
	s28 =	simm.s32 $0x4300;
	s1 =	sadd.s32 s4, s1;
	s13 =	sshll.u32 s6, $0x4  }
0x46: {  	[tilespmem:s7], [sflag:$0x1] =	stream.linear.gather [hbm4b:s1+s2], $0x80, $0x38;
	[tilespmem:$0x10100] =	vst v63  }
0x47: {  	s26 =	simm.s32 $0x8300;
	s29 =	sshll.u32 s20, $0x4;
	s8 =	sand.u32 $0x1FFFFFF0, s13  }
0x48: {  	v0 =	vsel vm15, $0x0, v0;
	v61, _, _ =	vpop (xrf0);
	[tilespmem:s14], [sflag:$0x1] =	stream.linear.gather [hbm4b:s15+s2], $0x80, $0x38;
	[tilespmem:$0x10100] =	vst v63  }
0x49: {  	(xrf0) =	vadd.scan.msk.s32 $0xffff, v0;
	s24 =	sadd.s32 s3, s8;
	s31 =	simm.s32 $0xC300;
	s16 =	spop (v2sf);
	(v2sf) =	vpush v61, $0xF  }
0x4a: {  	[tilespmem:s22], [sflag:$0x1] =	stream.linear.gather [hbm4b:s0+s2], $0x80, $0x38;
	[tilespmem:$0x10100] =	vst v63  }
0x4b: {  	s13 =	sshll.u32 s16, $0x4;
	s1 =	sadd.s32 s4, s8;
	s5 =	spop (v2sf)  }
0x4c: {  	v62, _, _ =	vpop (xrf0);
	[tilespmem:s23], [sflag:$0x1] =	stream.linear.gather [hbm4b:s24+s2], $0x80, $0x38;
	[tilespmem:$0x10100] =	vst v63  }
0x4d: {  	(v2sf) =	vpush v62, $0xF;
	s7 =	simm.s32 $0x4380;
	s25 =	sand.u32 $0x1FFFFFF0, s13;
	s13 =	sand.u32 $0x1FFFFFF0, s29  }
0x4e: {  	[tilespmem:s26], [sflag:$0x1] =	stream.linear.gather [hbm4b:s1+s2], $0x80, $0x38;
	[tilespmem:$0x10100] =	vst v63  }
0x4f: {  	s30 =	sadd.s32 s3, s25;
	s6 =	sadd.s32 s3, s13;
	s8 =	spop (v2sf)  }
0x50: {  	v63, _, _ =	vpop (xrf0);
	[tilespmem:s28], [sflag:$0x1] =	stream.linear.gather [hbm4b:s30+s2], $0x80, $0x38;
	[tilespmem:$0x10100] =	vst v63  }
0x51: {  	(v2sf) =	vpush v63, $0xF;
	s14 =	simm.s32 $0x8380;
	s13 =	sadd.s32 s4, s13;
	s0 =	sadd.s32 s4, s25  }
0x52: {  	[tilespmem:s31], [sflag:$0x1] =	stream.linear.gather [hbm4b:s0+s2], $0x80, $0x38;
	[tilespmem:$0x10100] =	vst v63  }
0x53: {  	s15 =	simm.s32 $0xC380;
	s20 =	sshll.u32 s8, $0x4;
	s1 =	simm.s32 $0x380  }
0x54: {  	[tilespmem:s1], [sflag:$0x1] =	stream.linear.gather [hbm4b:s6+s2], $0x80, $0x38;
	[tilespmem:$0x10100] =	vst v63  }
0x55: {  	s21 =	sand.u32 $0x1FFFFFF0, s20;
	s20 =	simm.s32 $0x0;
	s1 =	sshll.u32 s5, $0x4  }
0x56: {  	s25 =	sadd.s32 s3, s21;
	s23 =	simm.s32 $0x400;
	s1 =	sand.u32 $0x1FFFFFF0, s1  }
0x57: {  	[tilespmem:s14], [sflag:$0x1] =	stream.linear.gather [hbm4b:s13+s2], $0x80, $0x38;
	[tilespmem:$0x10100] =	vst v63  }
0x58: {  	s26 =	simm.s32 $0x8400;
	s22 =	spop (v2sf);
	s16 =	sadd.s32 s3, s1  }
0x59: {  	[tilespmem:s7], [sflag:$0x1] =	stream.linear.gather [hbm4b:s16+s2], $0x80, $0x38;
	[tilespmem:$0x10100] =	vst v63  }
0x5a: {  	s28 =	simm.s32 $0x4400;
	s24 =	sshll.u32 s22, $0x4;
	s1 =	sadd.s32 s4, s1  }
0x5b: {  	[tilespmem:s15], [sflag:$0x1] =	stream.linear.gather [hbm4b:s1+s2], $0x80, $0x38;
	[tilespmem:$0x10100] =	vst v63  }
0x5c: {  	s0 =	sadd.s32 s4, s21;
	s29 =	spop (v2sf);
	s13 =	sand.u32 $0x1FFFFFF0, s24  }
0x5d: {  	[tilespmem:s23], [sflag:$0x1] =	stream.linear.gather [hbm4b:s25+s2], $0x80, $0x38;
	[tilespmem:$0x10100] =	vst v63  }
0x5e: {  	s21 =	simm.s32 $0xC400;
	s31 =	sshll.u32 s29, $0x4;
	s30 =	sadd.s32 s3, s13  }
0x5f: {  	[tilespmem:s26], [sflag:$0x1] =	stream.linear.gather [hbm4b:s0+s2], $0x80, $0x38;
	[tilespmem:$0x10100] =	vst v63  }
0x60: {  	s13 =	sadd.s32 s4, s13;
	s1 =	sand.u32 $0x1FFFFFF0, s31;
	s0 =	spop (v2sf)  }
0x61: {  	[tilespmem:s28], [sflag:$0x1] =	stream.linear.gather [hbm4b:s30+s2], $0x80, $0x38;
	[tilespmem:$0x10100] =	vst v63  }
.LBB2_2:
0x62: {  	p0 =	sne.s32 s18, $0xF000  }
0x63: {  	s22 =	sshll.u32 s0, $0x4;
	s20 =	sadd.s32 $0x10, s20;
	s0 =	smov.u32 s18  }
0x64: {  	[tilespmem:s21], [sflag:$0x1] =	stream.linear.gather [hbm4b:s13+s2], $0x80, $0x38;
	[tilespmem:$0x10100] =	vst v63  }
0x65: {  	s13 =	sadd.s32 $0x480, s19;
	s21 =	sadd.s32 s3, s1;
	s22 =	sand.u32 $0x1FFFFFF0, s22  }
0x66: {  	[tilespmem:s13], [sflag:$0x1] =	stream.linear.gather [hbm4b:s21+s2], $0x80, $0x38;
	[tilespmem:$0x10100] =	vst v63  }
0x67: {  	s18 =	sadd.s32 $0x1000, s18;
	s1 =	sadd.s32 s4, s1;
	s13 =	sadd.s32 $0x8480, s19  }
0x68: {  	[tilespmem:s13], [sflag:$0x1] =	stream.linear.gather [hbm4b:s1+s2], $0x80, $0x38;
	[tilespmem:$0x10100] =	vst v63  }
0x69: {  	s1 =	sadd.s32 $0x4480, s19;
	s13 =	sadd.s32 s3, s22  }
0x6a: {  	[tilespmem:s1], [sflag:$0x1] =	stream.linear.gather [hbm4b:s13+s2], $0x80, $0x38;
	[tilespmem:$0x10100] =	vst v63  }
0x6b: {  	s1 =	sadd.s32 $0xC480, s19;
	s13 =	sadd.s32 s4, s22  }
0x6c: {  	[tilespmem:s1], [sflag:$0x1] =	stream.linear.gather [hbm4b:s13+s2], $0x80, $0x38;
	[tilespmem:$0x10100] =	vst v63  }
0x6d: {  	v0 =	vld [tilespmem:s20+$0x0];
	_ =	sdelay $0x4  }
0x6e: {  	v1 =	vsel vm10, $0x0, v0;
	v2 =	vsel vm13, $0x0, v0;
	v3 =	vsel vm14, $0x0, v0  }
0x6f: {  	v4 =	vnsel vm0, $0x0, v0;
	v5 =	vsel vm1, $0x0, v0;
	v6 =	vsel vm3, $0x0, v0;
	(xrf0) =	vadd.scan.msk.s32 $0xffff, v1  }
0x70: {  	v7 =	vsel vm4, $0x0, v0;
	v8 =	vsel vm5, $0x0, v0;
	v1 =	vsel vm2, $0x0, v0;
	(xrf0) =	vadd.scan.msk.s32 $0xffff, v4  }
0x71: {  	v9 =	vsel vm7, $0x0, v0;
	v10 =	vsel vm8, $0x0, v0;
	v4 =	vsel vm6, $0x0, v0;
	(xrf0) =	vadd.scan.msk.s32 $0xffff, v5  }
0x72: {  	v11 =	vsel vm11, $0x0, v0;
	v12 =	vsel vm12, $0x0, v0;
	v5 =	vsel vm9, $0x0, v0;
	(xrf0) =	vadd.scan.msk.s32 $0xffff, v1  }
0x73: {  	v0 =	vsel vm15, $0x0, v0;
	(xrf0) =	vadd.scan.msk.s32 $0xffff, v6  }
0x74: {  	(xrf0) =	vadd.scan.msk.s32 $0xffff, v7  }
0x75: {  	(xrf0) =	vadd.scan.msk.s32 $0xffff, v8;
	v1, _, _ =	vpop (xrf0)  }
0x76: {  	v6, _, _ =	vpop (xrf0);
	(xrf0) =	vadd.scan.msk.s32 $0xffff, v4;
	(v2sf) =	vpush v1, $0xF  }
0x77: {  	(v2sf) =	vpush v6, $0xF;
	v1, _, _ =	vpop (xrf0);
	(xrf0) =	vadd.scan.msk.s32 $0xffff, v9  }
0x78: {  	(v2sf) =	vpush v1, $0xF;
	v1, _, _ =	vpop (xrf0);
	(xrf0) =	vadd.scan.msk.s32 $0xffff, v10  }
0x79: {  	(v2sf) =	vpush v1, $0xF;
	v1, _, _ =	vpop (xrf0);
	(xrf0) =	vadd.scan.msk.s32 $0xffff, v5  }
0x7a: {  	v4, _, _ =	vpop (xrf0);
	(xrf0) =	vadd.scan.msk.s32 $0xffff, v11  }
0x7b: {  	v5, _, _ =	vpop (xrf0);
	(xrf0) =	vadd.scan.msk.s32 $0xffff, v12  }
0x7c: {  	(v2sf) =	vpush v1, $0xF;
	v1, _, _ =	vpop (xrf0);
	(xrf0) =	vadd.scan.msk.s32 $0xffff, v2  }
0x7d: {  	v2, _, _ =	vpop (xrf0);
	(xrf0) =	vadd.scan.msk.s32 $0xffff, v3  }
0x7e: {  	s19 =	sshra.s32 s0, $0x2;
	v3, _, _ =	vpop (xrf0);
	(xrf0) =	vadd.scan.msk.s32 $0xffff, v0  }
0x7f: {  	s0 =	sadd.s32 $0x200, s19;
	s22 =	sadd.s32 $0x4380, s19;
	s1 =	sadd.s32 $0x8200, s19;
	v6, _, _ =	vpop (xrf0)  }
0x80: {  	s14 =	sadd.s32 $0x8100, s19;
	s31 =	sadd.s32 $0xC200, s19;
	s28 =	sadd.s32 $0x4300, s19;
	v7, _, _ =	vpop (xrf0)  }
0x81: {  	s15 =	sadd.s32 $0x100, s19;
	s26 =	sadd.s32 $0xC300, s19;
	s21 =	sadd.s32 $0xC400, s19;
	v8, _, _ =	vpop (xrf0)  }
0x82: {  	s25 =	sadd.s32 $0xC380, s19;
	(v2sf) =	vpush v4, $0xF;
	v4, _, _ =	vpop (xrf0)  }
0x83: {  	v9, _, _ =	vpop (xrf0)  }
0x84: {  	v0, _, _ =	vpop (xrf0)  }
0x85: {  	s29 =	sadd.s32 $0x300, s19;
	s24 =	sadd.s32 $0x8400, s19;
	s30 =	spop (v2sf)  }
0x86: {  	s23 =	sadd.s32 $0x4400, s19;
	s13 =	sadd.s32 $0x4200, s19;
	s16 =	spop (v2sf);
	(v2sf) =	vpush v5, $0xF  }
0x87: {  	s5 =	sadd.s32 $0x4180, s19;
	s16 =	sshll.u32 s16, $0x4;
	s6 =	spop (v2sf)  }
0x88: {  	s16 =	sand.u32 $0x1FFFFFF0, s16;
	s6 =	sshll.u32 s6, $0x4;
	s7 =	spop (v2sf)  }
0x89: {  	s8 =	sadd.s32 s3, s16;
	s6 =	sand.u32 $0x1FFFFFF0, s6;
	s7 =	sshll.u32 s7, $0x4  }
0x8a: {  	[tilespmem:s15], [sflag:$0x1] =	stream.linear.gather [hbm4b:s8+s2], $0x80, $0x38;
	(v2sf) =	vpush v1, $0xF;
	[tilespmem:$0x10100] =	vst v63  }
0x8b: {  	s8 =	sadd.s32 s4, s16;
	s7 =	sand.u32 $0x1FFFFFF0, s7;
	s15 =	spop (v2sf)  }
0x8c: {  	[tilespmem:s14], [sflag:$0x1] =	stream.linear.gather [hbm4b:s8+s2], $0x80, $0x38;
	(v2sf) =	vpush v2, $0xF;
	[tilespmem:$0x10100] =	vst v63  }
0x8d: {  	s8 =	sadd.s32 $0x4100, s19;
	s14 =	sadd.s32 s3, s6;
	s15 =	sshll.u32 s15, $0x4  }
0x8e: {  	[tilespmem:s8], [sflag:$0x1] =	stream.linear.gather [hbm4b:s14+s2], $0x80, $0x38;
	[tilespmem:$0x10100] =	vst v63  }
0x8f: {  	s6 =	sadd.s32 s4, s6;
	s8 =	sadd.s32 $0xC100, s19;
	s14 =	sand.u32 $0x1FFFFFF0, s15  }
0x90: {  	[tilespmem:s8], [sflag:$0x1] =	stream.linear.gather [hbm4b:s6+s2], $0x80, $0x38;
	(v2sf) =	vpush v3, $0xF;
	[tilespmem:$0x10100] =	vst v63  }
0x91: {  	s6 =	sadd.s32 $0x180, s19;
	s8 =	sadd.s32 s3, s7;
	s15 =	spop (v2sf)  }
0x92: {  	[tilespmem:s6], [sflag:$0x1] =	stream.linear.gather [hbm4b:s8+s2], $0x80, $0x38;
	[tilespmem:$0x10100] =	vst v63  }
0x93: {  	s7 =	sadd.s32 s4, s7;
	s6 =	sadd.s32 $0x8180, s19;
	s8 =	sshll.u32 s15, $0x4  }
0x94: {  	[tilespmem:s6], [sflag:$0x1] =	stream.linear.gather [hbm4b:s7+s2], $0x80, $0x38;
	[tilespmem:$0x10100] =	vst v63  }
0x95: {  	s6 =	sadd.s32 s3, s14;
	s7 =	sand.u32 $0x1FFFFFF0, s8;
	s8 =	spop (v2sf)  }
0x96: {  	[tilespmem:s5], [sflag:$0x1] =	stream.linear.gather [hbm4b:s6+s2], $0x80, $0x38;
	(v2sf) =	vpush v6, $0xF;
	[tilespmem:$0x10100] =	vst v63  }
0x97: {  	s5 =	sadd.s32 $0xC180, s19;
	s6 =	sadd.s32 s4, s14;
	s8 =	sshll.u32 s8, $0x4  }
0x98: {  	[tilespmem:s5], [sflag:$0x1] =	stream.linear.gather [hbm4b:s6+s2], $0x80, $0x38;
	[tilespmem:$0x10100] =	vst v63  }
0x99: {  	s5 =	sadd.s32 s3, s7;
	s6 =	sand.u32 $0x1FFFFFF0, s8;
	s8 =	spop (v2sf)  }
0x9a: {  	[tilespmem:s0], [sflag:$0x1] =	stream.linear.gather [hbm4b:s5+s2], $0x80, $0x38;
	[tilespmem:$0x10100] =	vst v63  }
0x9b: {  	s0 =	sadd.s32 s4, s7;
	s5 =	sshll.u32 s8, $0x4;
	s7 =	spop (v2sf)  }
0x9c: {  	[tilespmem:s1], [sflag:$0x1] =	stream.linear.gather [hbm4b:s0+s2], $0x80, $0x38;
	[tilespmem:$0x10100] =	vst v63  }
0x9d: {  	s0 =	sadd.s32 s3, s6;
	s1 =	sand.u32 $0x1FFFFFF0, s5;
	s5 =	sshll.u32 s7, $0x4  }
0x9e: {  	[tilespmem:s13], [sflag:$0x1] =	stream.linear.gather [hbm4b:s0+s2], $0x80, $0x38;
	(v2sf) =	vpush v7, $0xF;
	[tilespmem:$0x10100] =	vst v63  }
0x9f: {  	s5 =	sand.u32 $0x1FFFFFF0, s5;
	s0 =	sadd.s32 s4, s6;
	s6 =	spop (v2sf)  }
0xa0: {  	[tilespmem:s31], [sflag:$0x1] =	stream.linear.gather [hbm4b:s0+s2], $0x80, $0x38;
	(v2sf) =	vpush v8, $0xF;
	[tilespmem:$0x10100] =	vst v63  }
0xa1: {  	s7 =	sadd.s32 s3, s1;
	s0 =	sadd.s32 $0x280, s19;
	s6 =	sshll.u32 s6, $0x4  }
0xa2: {  	[tilespmem:s0], [sflag:$0x1] =	stream.linear.gather [hbm4b:s7+s2], $0x80, $0x38;
	[tilespmem:$0x10100] =	vst v63  }
0xa3: {  	s1 =	sadd.s32 s4, s1;
	s6 =	sand.u32 $0x1FFFFFF0, s6;
	s0 =	sadd.s32 $0x8280, s19  }
0xa4: {  	[tilespmem:s0], [sflag:$0x1] =	stream.linear.gather [hbm4b:s1+s2], $0x80, $0x38;
	[tilespmem:$0x10100] =	vst v63  }
0xa5: {  	s0 =	sadd.s32 $0x4280, s19;
	s1 =	sadd.s32 s3, s5;
	s7 =	spop (v2sf)  }
0xa6: {  	[tilespmem:s0], [sflag:$0x1] =	stream.linear.gather [hbm4b:s1+s2], $0x80, $0x38;
	(v2sf) =	vpush v4, $0xF;
	[tilespmem:$0x10100] =	vst v63  }
0xa7: {  	s0 =	sadd.s32 $0xC280, s19;
	s1 =	sadd.s32 s4, s5;
	s5 =	sshll.u32 s7, $0x4  }
0xa8: {  	[tilespmem:s0], [sflag:$0x1] =	stream.linear.gather [hbm4b:s1+s2], $0x80, $0x38;
	(v2sf) =	vpush v9, $0xF;
	[tilespmem:$0x10100] =	vst v63  }
0xa9: {  	s0 =	sadd.s32 s3, s6;
	s1 =	sand.u32 $0x1FFFFFF0, s5;
	s5 =	sshll.u32 s30, $0x4  }
0xaa: {  	[tilespmem:s29], [sflag:$0x1] =	stream.linear.gather [hbm4b:s0+s2], $0x80, $0x38;
	[tilespmem:$0x10100] =	vst v63  }
0xab: {  	s6 =	sadd.s32 s4, s6;
	s5 =	sand.u32 $0x1FFFFFF0, s5;
	s0 =	sadd.s32 $0x8300, s19  }
0xac: {  	[tilespmem:s0], [sflag:$0x1] =	stream.linear.gather [hbm4b:s6+s2], $0x80, $0x38;
	[tilespmem:$0x10100] =	vst v63  }
0xad: {  	s0 =	sadd.s32 s3, s1;
	s6 =	sadd.s32 $0x380, s19;
	s7 =	spop (v2sf)  }
0xae: {  	[tilespmem:s28], [sflag:$0x1] =	stream.linear.gather [hbm4b:s0+s2], $0x80, $0x38;
	(v2sf) =	vpush v0, $0xF;
	[tilespmem:$0x10100] =	vst v63  }
0xaf: {  	s0 =	sadd.s32 s4, s1;
	s1 =	sshll.u32 s7, $0x4;
	s7 =	spop (v2sf)  }
0xb0: {  	[tilespmem:s26], [sflag:$0x1] =	stream.linear.gather [hbm4b:s0+s2], $0x80, $0x38;
	[tilespmem:$0x10100] =	vst v63  }
0xb1: {  	s1 =	sand.u32 $0x1FFFFFF0, s1;
	s0 =	sadd.s32 s3, s5;
	s7 =	sshll.u32 s7, $0x4  }
0xb2: {  	[tilespmem:s6], [sflag:$0x1] =	stream.linear.gather [hbm4b:s0+s2], $0x80, $0x38;
	[tilespmem:$0x10100] =	vst v63  }
0xb3: {  	s5 =	sadd.s32 s4, s5;
	s0 =	sadd.s32 $0x8380, s19;
	s6 =	sand.u32 $0x1FFFFFF0, s7  }
0xb4: {  	[tilespmem:s0], [sflag:$0x1] =	stream.linear.gather [hbm4b:s5+s2], $0x80, $0x38;
	[tilespmem:$0x10100] =	vst v63  }
0xb5: {  	s0 =	sadd.s32 s3, s1;
	s5 =	sadd.s32 $0x400, s19;
	s7 =	spop (v2sf)  }
0xb6: {  	[tilespmem:s22], [sflag:$0x1] =	stream.linear.gather [hbm4b:s0+s2], $0x80, $0x38;
	[tilespmem:$0x10100] =	vst v63  }
0xb7: {  	s0 =	sadd.s32 s4, s1;
	s1 =	sshll.u32 s7, $0x4;
	s7 =	spop (v2sf)  }
0xb8: {  	[tilespmem:s25], [sflag:$0x1] =	stream.linear.gather [hbm4b:s0+s2], $0x80, $0x38;
	[tilespmem:$0x10100] =	vst v63  }
0xb9: {  	s8 =	sand.u32 $0x1FFFFFF0, s1;
	s0 =	sadd.s32 s3, s6;
	s1 =	sshll.u32 s7, $0x4  }
0xba: {  	[tilespmem:s5], [sflag:$0x1] =	stream.linear.gather [hbm4b:s0+s2], $0x80, $0x38;
	[tilespmem:$0x10100] =	vst v63  }
.Ltmp0:
0xbb: {  	_ = 	snop;
	(pc) =	sbr.rel @p0 .LBB2_2-.Ltmp0, $4  }
0xbc: {  	s13 =	sadd.s32 s4, s8;
	s1 =	sand.u32 $0x1FFFFFF0, s1;
	s0 =	sadd.s32 s4, s6  }
0xbd: {  	[tilespmem:s24], [sflag:$0x1] =	stream.linear.gather [hbm4b:s0+s2], $0x80, $0x38;
	[tilespmem:$0x10100] =	vst v63  }
0xbe: {  	s5 =	sadd.s32 s3, s8;
	s0 =	spop (v2sf)  }
0xbf: {  	[tilespmem:s23], [sflag:$0x1] =	stream.linear.gather [hbm4b:s5+s2], $0x80, $0x38;
	[tilespmem:$0x10100] =	vst v63  }
0xc0: {  	[tilespmem:s21], [sflag:$0x1] =	stream.linear.gather [hbm4b:s13+s2], $0x80, $0x38;
	[tilespmem:$0x10100] =	vst v63  }
0xc1: {  	s0 =	sshll.u32 s0, $0x4;
	s5 =	sadd.s32 $0x480, s19;
	s6 =	sadd.s32 s3, s1  }
0xc2: {  	[tilespmem:s5], [sflag:$0x1] =	stream.linear.gather [hbm4b:s6+s2], $0x80, $0x38;
	[tilespmem:$0x10100] =	vst v63  }
0xc3: {  	s18 =	sadd.s32 $0x8480, s19;
	s20 =	sadd.s32 s4, s1;
	s0 =	sand.u32 $0x1FFFFFF0, s0  }
0xc4: {  	[tilespmem:s18], [sflag:$0x1] =	stream.linear.gather [hbm4b:s20+s2], $0x80, $0x38;
	[tilespmem:$0x10100] =	vst v63  }
0xc5: {  	s21 =	sadd.s32 $0x4480, s19;
	s22 =	sadd.s32 s3, s0  }
0xc6: {  	[tilespmem:s21], [sflag:$0x1] =	stream.linear.gather [hbm4b:s22+s2], $0x80, $0x38;
	[tilespmem:$0x10100] =	vst v63  }
0xc7: {  	s23 =	sadd.s32 $0xC480, s19;
	s0 =	sadd.s32 s4, s0  }
0xc8: {  	[tilespmem:s23], [sflag:$0x1] =	stream.linear.gather [hbm4b:s0+s2], $0x80, $0x38;
	[tilespmem:$0x10100] =	vst v63  }
0xc9: {  	_ =	swait.ge [sflag:s12], $0x4000  }
0xca: {  	[sflag:s12] =	ssyncset.done $0x0  }
0xcb: {  	[sflag:s12] =	ssyncadd.s32 $0xFFFFC000  }
0xcc: {  	_ =	swait.ge [sflag:s12], $0x4000  }
0xcd: {  	[sflag:s12] =	ssyncset.done $0x0  }
0xce: {  	[sflag:s12] =	ssyncadd.s32 $0xFFFFC000  }
0xcf: {  	_ =	swait.ge [sflag:s12], $0x4000  }
0xd0: {  	[sflag:s12] =	ssyncset.done $0x0  }
0xd1: {  	[sflag:s12] =	ssyncadd.s32 $0xFFFFC000  }
0xd2: {  	_ =	swait.ge [sflag:s12], $0x4000  }
0xd3: {  	[sflag:s12] =	ssyncset.done $0x0  }
0xd4: {  	s25 =	simm.s32 $0x100;
	s24 =	rddreg [dreg:$0x3];
	[sflag:s12] =	ssyncadd.s32 $0xFFFFC000  }
0xd5: {  	[hbm4b:s24+s2] =	stream.linear.scatter [tilespmem:s25], [sflag:$0x2], $0x4000, $0x38;
	[tilespmem:$0x10100] =	vst v63  }
0xd6: {  	_ =	swait.ge [sflag:s11], $0x4000  }
0xd7: {  	[sflag:s11] =	ssyncset.done $0x0  }
0xd8: {  	s28 =	simm.s32 $0x4100;
	s26 =	rddreg [dreg:$0x4];
	[sflag:s11] =	ssyncadd.s32 $0xFFFFC000  }
0xd9: {  	[hbm4b:s26+s2] =	stream.linear.scatter [tilespmem:s28], [sflag:$0x2], $0x4000, $0x38;
	[tilespmem:$0x10100] =	vst v63  }
0xda: {  	_ =	swait.ge [sflag:s11], $0x4000  }
0xdb: {  	[sflag:s11] =	ssyncset.done $0x0  }
0xdc: {  	s30 =	simm.s32 $0x8100;
	s29 =	rddreg [dreg:$0x6];
	[sflag:s11] =	ssyncadd.s32 $0xFFFFC000  }
0xdd: {  	[hbm4b:s29+s2] =	stream.linear.scatter [tilespmem:s30], [sflag:$0x2], $0x4000, $0x38;
	[tilespmem:$0x10100] =	vst v63  }
0xde: {  	s17 =	sadd.s32 $0x1, s17;
	_ =	swait.ge [sflag:s11], $0x4000  }
0xdf: {  	p0 =	sne.s32 s17, s10;
	[sflag:s11] =	ssyncset.done $0x0  }
.Ltmp1:
0xe0: {  	s31 =	simm.s32 $0xC100;
	[sflag:s11] =	ssyncadd.s32 $0xFFFFC000;
	(pc) =	sbr.rel @p0 .LBB2_1-.Ltmp1, $4  }
0xe1: {  	[hbm4b:s9+s2] =	stream.linear.scatter [tilespmem:s31], [sflag:$0x2], $0x4000, $0x38;
	[tilespmem:$0x10100] =	vst v63  }
0xe2: {  	_ =	swait.ge [sflag:s11], $0x4000  }
0xe3: {  	[sflag:s11] =	ssyncset.done $0x0  }
0xe4: {  	[sflag:s11] =	ssyncadd.s32 $0xFFFFC000  }
0xe5: {  	_ =	sfence.sel $0x180000  }
0xe6: {  	[bflag:$0x0] =	sbarrier.arrive $0xFFFF  }
0xe7: {  	_ =	strace $0x90000047  }
0xe8: {  	s0 =	stileid.u32;
	[bflag:$0x2] =	sbarrier.arrive $0xFFFF  }
0xe9: {  	p0 =	sne.s32 s0, $0x0;
	s0 =	rddreg [dreg:$0x2]  }
0xea: {  	s0 =	sadd.s32 @!p0 $0x100000, s0  }
0xeb: {  	[sflag:s0] =	ssyncadd.tile.s32 @!p0 $0x1;
	_ =	shalt  }
.Lfunc_end2:
_tile_overlayer_lowered:
.L_overlay_start_2:
0xec: {  	(tag) =	ssettag $0x2  }
0xed: {  	s0 =	rddreg [dreg:$0x0];
	s2 =	stileid.u32  }
0xee: {  	s1 =	rddreg [dreg:$0x1];
	p0 =	sne.s32 s2, $0x0  }
0xef: {  	s3 =	rddreg [dreg:$0x2];
	[bflag:$0x3] =	sbarrier.arrive $0xFFFF;
	s2 =	simm.s32 @!p0 $0x1C02  }
0xf0: {  	[timem:s3], [sflag:s2] =	dma.local @!p0 [hbm:s0], s1  }
0xf1: {  	s0 =	simm.s32 @!p0 $0x2  }
0xf2: {  	_ =	swait.ge @!p0 [sflag:s0], s1  }
0xf3: {  	s1 =	ssub.s32 @!p0 $0x0, s1;
	[sflag:s0] =	ssyncset.done @!p0 $0x0  }
0xf4: {  	[sflag:s0] =	ssyncadd.s32 @!p0 s1  }
0xf5: {  	[bflag:$0x3] =	sbarrier.arrive $0xFFFF  }
0xf6: {  	_ =	shalt  }

</sc_bundles>
